<compile_context>
chip_gen: v7x
topology: tpu7x:2x2x1
jax: 0.10.2.dev20260603
libtpu: 0.0.44.dev20260713+nightly
codegen_flags: <defaults>
</compile_context>

<pallas_src>
import jax
import jax.numpy as jnp
from jax import lax
from jax.experimental import pallas as pl
from jax.experimental.pallas import tpu as pltpu
from jax.experimental.pallas import tpu_sc as plsc

N = 5000
K = 80
IMG = 640.0
NMS_THRESH = 0.5
NPAD = 5120
BLK = 128
CBLK = 256
CNB = NPAD // CBLK
NW = 32
PW = 12544
TOT = NW * PW
ROWS = TOT // 128
RB = 392
HIGH = jax.lax.Precision.HIGHEST



def _a_body(x_ref, sig_ref, posm_ref, a_ref):
    x = x_ref[...]
    sig_ref[0:3125, :] = jax.nn.sigmoid(x)
    sig_ref[3125:ROWS, :] = jnp.zeros((ROWS - 3125, 128), jnp.float32)
    sb = lax.bitcast_convert_type(sig_ref[...], jnp.int32)

    def cond(c):
        return c[1] - c[0] > 1

    def body(c):
        lo, hi = c
        d = hi - lo
        m1 = lo + d // 4
        m2 = lo + d // 2
        m3 = lo + d - d // 4
        c1 = jnp.sum(jnp.where(sb > m1, 1, 0))
        c2 = jnp.sum(jnp.where(sb > m2, 1, 0))
        c3 = jnp.sum(jnp.where(sb > m3, 1, 0))
        lo2 = jnp.where(c3 >= N, m3,
                        jnp.where(c2 >= N, m2,
                                  jnp.where(c1 >= N, m1, lo)))
        hi2 = jnp.where(c1 < N, m1,
                        jnp.where(c2 < N, m2,
                                  jnp.where(c3 < N, m3, hi)))
        return lo2, hi2

    _, pstar = lax.while_loop(cond, body, (jnp.int32(0), jnp.int32(0x3F800000)))

    gm = jnp.where(sb > pstar, 1.0, 0.0)
    em = jnp.where(sb == pstar, 1.0, 0.0)
    ri = lax.broadcasted_iota(jnp.int32, (BLK, BLK), 0)
    ci = lax.broadcasted_iota(jnp.int32, (BLK, BLK), 1)
    mstrict = jnp.where(ri < ci, 1.0, 0.0)
    gex = lax.dot_general(gm, mstrict, (((1,), (0,)), ((), ())),
                          preferred_element_type=jnp.float32)
    eex = lax.dot_general(em, mstrict, (((1,), (0,)), ((), ())),
                          preferred_element_type=jnp.float32)
    a_ref[:, 0:1] = jnp.sum(gm, axis=1, keepdims=True)
    a_ref[:, 1:2] = jnp.sum(em, axis=1, keepdims=True)

    rb_r = lax.broadcasted_iota(jnp.int32, (RB, RB), 0)
    rb_c = lax.broadcasted_iota(jnp.int32, (RB, RB), 1)
    lstrict = jnp.where(rb_c < rb_r, 1.0, 0.0)

    def rp_step(b, c):
        cg, ce = c
        gt = a_ref[pl.ds(b * RB, RB), 0:1]
        et = a_ref[pl.ds(b * RB, RB), 1:2]
        a_ref[pl.ds(b * RB, RB), 2:3] = lax.dot_general(
            lstrict, gt, (((1,), (0,)), ((), ())),
            preferred_element_type=jnp.float32) + cg
        a_ref[pl.ds(b * RB, RB), 3:4] = lax.dot_general(
            lstrict, et, (((1,), (0,)), ((), ())),
            preferred_element_type=jnp.float32) + ce
        return cg + jnp.sum(gt), ce + jnp.sum(et)

    m, _ = lax.fori_loop(0, ROWS // RB, rp_step, (jnp.float32(0.0), jnp.float32(0.0)))
    r = jnp.float32(N) - m

    pos_g = a_ref[:, 2:3] + gex
    pos_e = a_ref[:, 3:4] + eex
    pos = jnp.where(gm > 0.5, pos_g,
                    jnp.where(em > 0.5,
                              jnp.where(pos_e < r, m + pos_e, -1.0),
                              -1.0))
    posm_ref[...] = pos.astype(jnp.int32)


def _run_a(x2d, interpret=False):
    return pl.pallas_call(
        _a_body,
        out_shape=(jax.ShapeDtypeStruct((ROWS, 128), jnp.float32),
                   jax.ShapeDtypeStruct((ROWS, 128), jnp.int32)),
        scratch_shapes=[pltpu.VMEM((ROWS, 8), jnp.float32)],
        interpret=interpret,
    )(x2d)



def _b_body(scores_hbm, posm_hbm, vals_hbm, idx_hbm, sc_v, pos_v, lv, li):
    w = lax.axis_index("s") * 2 + lax.axis_index("c")
    base = w * PW
    pltpu.sync_copy(scores_hbm.at[pl.ds(base, PW)], sc_v)
    pltpu.sync_copy(posm_hbm.at[pl.ds(base, PW)], pos_v)
    lanes = lax.iota(jnp.int32, 16)

    def zstep(i, c):
        lv[pl.ds(i * 16, 16)] = jnp.zeros((16,), jnp.float32)
        li[pl.ds(i * 16, 16)] = jnp.zeros((16,), jnp.int32)
        return c

    lax.fori_loop(0, NPAD // 16, zstep, jnp.int32(0))

    def step(i, c):
        v = sc_v[pl.ds(i * 16, 16)]
        p = pos_v[pl.ds(i * 16, 16)]
        flat = base + i * 16 + lanes
        msk = p >= 0
        pc = jnp.where(msk, p, 0)
        plsc.store_scatter(lv, [pc], v, mask=msk)
        plsc.store_scatter(li, [pc], flat, mask=msk)
        return c

    lax.fori_loop(0, PW // 16, step, jnp.int32(0))
    pltpu.sync_copy(lv, vals_hbm.at[w])
    pltpu.sync_copy(li, idx_hbm.at[w])


def _run_b(scores_flat, posm_flat):
    mesh = plsc.VectorSubcoreMesh(core_axis_name="c", subcore_axis_name="s")
    f = pl.kernel(
        _b_body,
        out_type=(jax.ShapeDtypeStruct((NW, NPAD), jnp.float32),
                  jax.ShapeDtypeStruct((NW, NPAD), jnp.int32)),
        mesh=mesh,
        compiler_params=pltpu.CompilerParams(needs_layout_passes=False),
        scratch_types=[
            pltpu.VMEM((PW,), jnp.float32),
            pltpu.VMEM((PW,), jnp.int32),
            pltpu.VMEM((NPAD,), jnp.float32),
            pltpu.VMEM((NPAD,), jnp.int32),
        ],
    )
    return f(scores_flat, posm_flat)



def _row2col(v, eye):
    return jnp.sum(eye * v, axis=1, keepdims=True)


def _col2row(v, eye):
    return jnp.sum(eye * v, axis=0, keepdims=True)


def _c_body(vals2_ref, idx2_ref, boxpay_ref, dets_ref, lab_ref, t_ref, s_ref):
    col = lax.broadcasted_iota(jnp.int32, (1, NPAD), 1)
    ri = lax.broadcasted_iota(jnp.int32, (CBLK, CBLK), 0)
    ci = lax.broadcasted_iota(jnp.int32, (CBLK, CBLK), 1)
    eye = jnp.where(ri == ci, 1.0, 0.0)
    real = col < N

    vrow = jnp.sum(vals2_ref[...], axis=0, keepdims=True)
    irow = jnp.sum(idx2_ref[...], axis=0, keepdims=True)
    vrow = jnp.where(real, vrow, 0.0)
    irow = jnp.where(real, irow, 0)
    l2 = (irow >> 16).astype(jnp.float32)
    l1 = ((irow >> 8) & 255).astype(jnp.float32)
    l0 = (irow & 255).astype(jnp.float32)
    s_ref[5:6, :] = vrow
    colf = col.astype(jnp.float32)

    def rank_step(i, c):
        base = i * CBLK
        vb = _row2col(s_ref[5:6, pl.ds(base, CBLK)], eye)
        jg = (base + lax.broadcasted_iota(jnp.int32, (CBLK, 1), 0)).astype(jnp.float32)
        gt = jnp.where(vrow > vb, 1.0, 0.0)
        eq = jnp.where(vrow == vb, 1.0, 0.0) * jnp.where(colf < jg, 1.0, 0.0)
        rk = jnp.sum(gt + eq, axis=1, keepdims=True)
        t_ref[6:7, pl.ds(base, CBLK)] = _col2row(rk, eye)
        return c

    lax.fori_loop(0, CNB, rank_step, jnp.int32(0))

    rank_row = t_ref[6:7, :]
    boxpay = boxpay_ref[...]

    def matvec(oh, row):
        return lax.dot_general(oh, row, (((1,), (1,)), ((), ())),
                               precision=HIGH,
                               preferred_element_type=jnp.float32)

    def perm_step(i, c):
        base = i * CBLK
        jout = (base + lax.broadcasted_iota(jnp.int32, (CBLK, 1), 0)).astype(jnp.float32)
        oh = jnp.where(rank_row == jout, 1.0, 0.0)
        sv = matvec(oh, vrow)
        idx = (matvec(oh, l2) * 65536.0 + matvec(oh, l1) * 256.0
               + matvec(oh, l0)).astype(jnp.int32)
        prop = idx // K
        label = idx - prop * K
        oh2 = jnp.where(colf == prop.astype(jnp.float32), 1.0, 0.0)
        bl = lax.dot_general(oh2, boxpay, (((1,), (0,)), ((), ())),
                             precision=HIGH,
                             preferred_element_type=jnp.float32)

        def coord(cix):
            l3i = bl[:, 4 * cix + 0:4 * cix + 1].astype(jnp.int32)
            l2i = bl[:, 4 * cix + 1:4 * cix + 2].astype(jnp.int32)
            l1i = bl[:, 4 * cix + 2:4 * cix + 3].astype(jnp.int32)
            l0i = bl[:, 4 * cix + 3:4 * cix + 4].astype(jnp.int32)
            bits = l3i * 16777216 + l2i * 65536 + l1i * 256 + l0i
            return lax.bitcast_convert_type(bits, jnp.float32)

        cx, cy, bw, bh = coord(0), coord(1), coord(2), coord(3)
        x1 = (cx - 0.5 * bw) * IMG
        y1 = (cy - 0.5 * bh) * IMG
        x2 = (cx + 0.5 * bw) * IMG
        y2 = (cy + 0.5 * bh) * IMG
        t_ref[0:1, pl.ds(base, CBLK)] = _col2row(x1, eye)
        t_ref[1:2, pl.ds(base, CBLK)] = _col2row(y1, eye)
        t_ref[2:3, pl.ds(base, CBLK)] = _col2row(x2, eye)
        t_ref[3:4, pl.ds(base, CBLK)] = _col2row(y2, eye)
        t_ref[4:5, pl.ds(base, CBLK)] = _col2row(label.astype(jnp.float32), eye)
        t_ref[5:6, pl.ds(base, CBLK)] = _col2row(sv, eye)
        return c

    lax.fori_loop(0, CNB, perm_step, jnp.int32(0))

    x1 = t_ref[0:1, :]
    y1 = t_ref[1:2, :]
    x2 = t_ref[2:3, :]
    y2 = t_ref[3:4, :]
    labels_f = t_ref[4:5, :]
    vals_s = t_ref[5:6, :]
    neg = jnp.float32(-1e30)
    mx = jnp.max(jnp.where(real, jnp.maximum(jnp.maximum(x1, y1),
                                             jnp.maximum(x2, y2)), neg))
    maxc = mx + 1.0
    off = labels_f * maxc
    ox1 = x1 + off
    oy1 = y1 + off
    ox2 = x2 + off
    oy2 = y2 + off
    area = (ox2 - ox1) * (oy2 - oy1)
    s_ref[0:1, :] = ox1
    s_ref[1:2, :] = oy1
    s_ref[2:3, :] = ox2
    s_ref[3:4, :] = oy2
    s_ref[4:5, :] = area
    t_ref[7:8, :] = jnp.zeros((1, NPAD), jnp.float32)

    def block_step(i, carry):
        base = i * CBLK
        rx1 = s_ref[0:1, pl.ds(base, CBLK)]
        ry1 = s_ref[1:2, pl.ds(base, CBLK)]
        rx2 = s_ref[2:3, pl.ds(base, CBLK)]
        ry2 = s_ref[3:4, pl.ds(base, CBLK)]
        rar = s_ref[4:5, pl.ds(base, CBLK)]
        bx1 = _row2col(rx1, eye)
        by1 = _row2col(ry1, eye)
        bx2 = _row2col(rx2, eye)
        by2 = _row2col(ry2, eye)
        bar = _row2col(rar, eye)

        def over_f(ax1, ay1, ax2, ay2, aar):
            ix1 = jnp.maximum(bx1, ax1)
            iy1 = jnp.maximum(by1, ay1)
            ix2 = jnp.minimum(bx2, ax2)
            iy2 = jnp.minimum(by2, ay2)
            inter = jnp.maximum(ix2 - ix1, 0.0) * jnp.maximum(iy2 - iy1, 0.0)
            iou = inter / (bar + aar - inter + 1e-9)
            return jnp.where(iou > NMS_THRESH, 1.0, 0.0)

        over_all = over_f(ox1, oy1, ox2, oy2, area)
        keep = t_ref[7:8, :]
        prior = jnp.where(col < base, keep, 0.0)
        supp0 = jnp.sum(over_all * prior, axis=1, keepdims=True)
        e_col = 1.0 - jnp.minimum(supp0, 1.0)
        tri = jnp.where(ri < ci, 1.0, 0.0)
        ob = over_f(rx1, ry1, rx2, ry2, rar) * tri

        def fp_cond(c):
            return c[1] > 0.5

        def fp_body(c):
            kb, _ = c
            sup = jnp.sum(ob * kb, axis=0, keepdims=True)
            sup_col = _row2col(jnp.minimum(sup, 1.0), eye)
            nk = e_col * (1.0 - jnp.minimum(sup_col, 1.0))
            return nk, jnp.sum(jnp.abs(nk - kb))

        kb, _ = lax.while_loop(fp_cond, fp_body, (e_col, jnp.float32(1.0)))
        t_ref[7:8, pl.ds(base, CBLK)] = _col2row(kb, eye)
        return carry

    lax.fori_loop(0, CNB, block_step, jnp.int32(0))
    keep = jnp.where(real, t_ref[7:8, :], 0.0)

    c0 = jnp.zeros((1, NPAD), jnp.float32)
    dets_ref[0:1, :] = jnp.clip(x1, 0.0, IMG) * keep
    dets_ref[1:2, :] = jnp.clip(y1, 0.0, IMG) * keep
    dets_ref[2:3, :] = jnp.clip(x2, 0.0, IMG) * keep
    dets_ref[3:4, :] = jnp.clip(y2, 0.0, IMG) * keep
    dets_ref[4:5, :] = vals_s * keep
    dets_ref[5:6, :] = c0
    dets_ref[6:7, :] = c0
    dets_ref[7:8, :] = c0
    lab_ref[0:1, :] = labels_f


def _run_c(vals2, idx2, boxpay, interpret=False):
    return pl.pallas_call(
        _c_body,
        out_shape=(jax.ShapeDtypeStruct((8, NPAD), jnp.float32),
                   jax.ShapeDtypeStruct((1, NPAD), jnp.float32)),
        scratch_shapes=[pltpu.VMEM((8, NPAD), jnp.float32),
                        pltpu.VMEM((8, NPAD), jnp.float32)],
        interpret=interpret,
    )(vals2, idx2, boxpay)



def _boxpay(box_pred):
    bbits = lax.bitcast_convert_type(box_pred[0], jnp.int32)
    limbs = [((bbits[:, c] >> s) & 255).astype(jnp.float32)
             for c in range(4) for s in (24, 16, 8, 0)]
    return jnp.pad(jnp.stack(limbs, axis=1), ((0, NPAD - N), (0, 0)))


@jax.jit
def _pipeline(box_cls, box_pred):
    x2d = box_cls[0].reshape(3125, 128)
    sig, posm = _run_a(x2d)
    vals2, idx2 = _run_b(sig.reshape(TOT), posm.reshape(TOT))
    dets8, lab = _run_c(vals2, idx2, _boxpay(box_pred))
    dets = dets8[:5, :N].T
    labels = lab[0, :N].astype(jnp.int32)
    return dets, labels


def kernel(box_cls, box_pred):
    return _pipeline(box_cls, box_pred)

# --- scband reference (transcript-rebuilt; emitter-appended) ---
"""Pipeline reference for scband-om-det-v2-turbo-56573309223026 (READ-ONLY COPY).

The authoritative reference and input builder live on the scoring server;
editing this copy changes nothing except your own understanding.
"""

import jax, jax.numpy as jnp
import numpy as np

NUM_PROPOSALS = 5000
NUM_CLASSES = 80
IMG_H = 640
IMG_W = 640
NMS_THRESH = 0.5


def setup_inputs(seed: int = 0) -> dict:
    key = jax.random.key(seed)
    k1, k2 = jax.random.split(key)
    box_cls = jax.random.normal(k1, (1, NUM_PROPOSALS, NUM_CLASSES), dtype=jnp.float32)
    box_pred = jax.random.uniform(k2, (1, NUM_PROPOSALS, 4), dtype=jnp.float32)
    return {"box_cls": box_cls, "box_pred": box_pred}


def _cxcywh_to_xyxy(b):
    cx, cy, w, h = b[:, 0], b[:, 1], b[:, 2], b[:, 3]
    return jnp.stack([cx - 0.5 * w, cy - 0.5 * h, cx + 0.5 * w, cy + 0.5 * h], axis=1)


def _iou_one_to_many(box, boxes):
    x1 = jnp.maximum(box[0], boxes[:, 0])
    y1 = jnp.maximum(box[1], boxes[:, 1])
    x2 = jnp.minimum(box[2], boxes[:, 2])
    y2 = jnp.minimum(box[3], boxes[:, 3])
    inter = jnp.clip(x2 - x1, 0.0) * jnp.clip(y2 - y1, 0.0)
    a1 = (box[2] - box[0]) * (box[3] - box[1])
    a2 = (boxes[:, 2] - boxes[:, 0]) * (boxes[:, 3] - boxes[:, 1])
    return inter / (a1 + a2 - inter + 1e-9)


def _nms(boxes, scores, thresh):
    # greedy NMS, torchvision semantics: suppress boxes with IoU > thresh vs a kept higher-score box
    n = boxes.shape[0]
    order = jnp.argsort(-scores)
    bs = boxes[order]
    idx_range = jnp.arange(n)

    def body(i, suppressed):
        ious = _iou_one_to_many(bs[i], bs)
        supp_new = suppressed | ((ious > thresh) & (idx_range > i))
        return jnp.where(suppressed[i], suppressed, supp_new)

    suppressed = jax.lax.fori_loop(0, n, body, jnp.zeros((n,), dtype=bool))
    keep_sorted = jnp.logical_not(suppressed)
    keep = jnp.zeros((n,), dtype=bool).at[order].set(keep_sorted)
    return keep


def reference(box_cls, box_pred):
    # compute_score (loss_type == 'FOCAL')
    scores = jax.nn.sigmoid(box_cls)[0]                       # [N, K]
    labels = jnp.tile(jnp.arange(NUM_CLASSES), NUM_PROPOSALS)  # arange(K).repeat over N, flattened -> [N*K]
    # inference_single_image: topk over flattened class scores, proposal_num = N
    flat = scores.reshape(-1)                                  # [N*K]
    scores_per_image, topk_indices = jax.lax.top_k(flat, NUM_PROPOSALS)
    labels_per_image = labels[topk_indices]
    boxes = box_pred[0]                                        # [N, 4] cxcywh
    # boxes.view(-1,1,4).repeat(1,K,1).view(-1,4)[topk_indices] == boxes[topk_indices // K]
    box_pred_per_image = boxes[topk_indices // NUM_CLASSES]
    scale = jnp.array([IMG_H, IMG_W, IMG_H, IMG_W], dtype=jnp.float32)  # torch.tensor(image_size).repeat(2)
    box_xyxy = _cxcywh_to_xyxy(box_pred_per_image) * scale
    # score_thresh = 0.0 and sigmoid(x) > 0 always, so the score filter keeps everything (fixed shape)
    # batched_nms: offset boxes by class label so different classes never overlap
    max_coord = jnp.max(box_xyxy) + 1.0
    offsets = labels_per_image.astype(jnp.float32) * max_coord
    boxes_off = box_xyxy + offsets[:, None]
    keep = _nms(jax.lax.stop_gradient(boxes_off), jax.lax.stop_gradient(scores_per_image), NMS_THRESH)
    keepf = keep.astype(jnp.float32)
    # Boxes.clip(image_size): x in [0, W], y in [0, H]
    lo = jnp.zeros((4,), dtype=jnp.float32)
    hi = jnp.array([IMG_W, IMG_H, IMG_W, IMG_H], dtype=jnp.float32)
    boxes_clipped = jnp.clip(box_xyxy, lo, hi)
    # fixed-shape output: suppressed detections zeroed by the keep mask
    dets = jnp.concatenate([boxes_clipped * keepf[:, None], (scores_per_image * keepf)[:, None]], axis=1)  # [N, 5]
    return dets, labels_per_image

if __name__ == "__main__":
    import jax
    _d = setup_inputs()
    print(jax.jit(kernel)(*tuple(_d.values())))

</pallas_src>

<mosaic_0001>
#map = affine_map<(d0, d1) -> (0)>
#map1 = affine_map<(d0, d1) -> (0, 0)>
module attributes {stable_mosaic.version = 14 : i64} {
  func.func @_b_body(%arg0: i32, %arg1: i32, %arg2: memref<401408xf32, #tpu.memory_space<hbm>>, %arg3: memref<401408xi32, #tpu.memory_space<hbm>>, %arg4: memref<32x5120xf32, #tpu.memory_space<hbm>>, %arg5: memref<32x5120xi32, #tpu.memory_space<hbm>>, %arg6: memref<12544xf32, #tpu.memory_space<vmem>>, %arg7: memref<12544xi32, #tpu.memory_space<vmem>>, %arg8: memref<5120xf32, #tpu.memory_space<vmem>>, %arg9: memref<5120xi32, #tpu.memory_space<vmem>>) attributes {dimension_semantics = [#tpu.dimension_semantics<core_parallel>, #tpu.dimension_semantics<subcore_parallel>], iteration_bounds = array<i64: 2, 16>, scalar_prefetch = 0 : i64, scratch_operands = 4 : i64, tpu.core_type = #tpu.core_type<sc_vector_subcore>, window_params = [{transform_indices = #map}, {transform_indices = #map}, {transform_indices = #map1}, {transform_indices = #map1}]} {
    %mul3A = arith.constant 2 : i32
    %mul3A_0 = arith.muli %arg1, %mul3A : i32
    %add3A = arith.addi %mul3A_0, %arg0 : i32
    %mul3A_1 = arith.constant 12544 : i32
    %mul3A_2 = arith.muli %add3A, %mul3A_1 : i32
    "tpu.region"() ({
      %run_scoped3A = tpu.sem_alloc : memref<!tpu.dma_semaphore, #tpu.memory_space<semaphore_mem>>
      %dma_start3A = tpu.memref_slice %arg2[%mul3A_2] : memref<401408xf32, #tpu.memory_space<hbm>> -> memref<12544xf32, #tpu.memory_space<hbm>>
      %dma_start3A_14 = tpu.memref_slice %arg2[%mul3A_2] : memref<401408xf32, #tpu.memory_space<hbm>> -> memref<12544xf32, #tpu.memory_space<hbm>>
      tpu.enqueue_dma source(%dma_start3A_14 : memref<12544xf32, #tpu.memory_space<hbm>>) target(%arg6 : memref<12544xf32, #tpu.memory_space<vmem>>) target_semaphore(%run_scoped3A : memref<!tpu.dma_semaphore, #tpu.memory_space<semaphore_mem>>)
      %dma_wait3A = tpu.memref_slice %arg2[%mul3A_2] : memref<401408xf32, #tpu.memory_space<hbm>> -> memref<12544xf32, #tpu.memory_space<hbm>>
      %dma_wait3A_15 = tpu.memref_slice %arg2[%mul3A_2] : memref<401408xf32, #tpu.memory_space<hbm>> -> memref<12544xf32, #tpu.memory_space<hbm>>
      tpu.wait_dma2 semaphore(%run_scoped3A : memref<!tpu.dma_semaphore, #tpu.memory_space<semaphore_mem>>) src(%dma_wait3A_15 : memref<12544xf32, #tpu.memory_space<hbm>>) dst(%arg6 : memref<12544xf32, #tpu.memory_space<vmem>>)
      tpu.yield
    }) : () -> ()
    "tpu.region"() ({
      %run_scoped3A = tpu.sem_alloc : memref<!tpu.dma_semaphore, #tpu.memory_space<semaphore_mem>>
      %dma_start3A = tpu.memref_slice %arg3[%mul3A_2] : memref<401408xi32, #tpu.memory_space<hbm>> -> memref<12544xi32, #tpu.memory_space<hbm>>
      %dma_start3A_14 = tpu.memref_slice %arg3[%mul3A_2] : memref<401408xi32, #tpu.memory_space<hbm>> -> memref<12544xi32, #tpu.memory_space<hbm>>
      tpu.enqueue_dma source(%dma_start3A_14 : memref<12544xi32, #tpu.memory_space<hbm>>) target(%arg7 : memref<12544xi32, #tpu.memory_space<vmem>>) target_semaphore(%run_scoped3A : memref<!tpu.dma_semaphore, #tpu.memory_space<semaphore_mem>>)
      %dma_wait3A = tpu.memref_slice %arg3[%mul3A_2] : memref<401408xi32, #tpu.memory_space<hbm>> -> memref<12544xi32, #tpu.memory_space<hbm>>
      %dma_wait3A_15 = tpu.memref_slice %arg3[%mul3A_2] : memref<401408xi32, #tpu.memory_space<hbm>> -> memref<12544xi32, #tpu.memory_space<hbm>>
      tpu.wait_dma2 semaphore(%run_scoped3A : memref<!tpu.dma_semaphore, #tpu.memory_space<semaphore_mem>>) src(%dma_wait3A_15 : memref<12544xi32, #tpu.memory_space<hbm>>) dst(%arg7 : memref<12544xi32, #tpu.memory_space<vmem>>)
      tpu.yield
    }) : () -> ()
    %iota3A = tpu.iota {dimensions = array<i32: 0>} : vector<16xi32>
    %scan3A = arith.constant 0 : i32
    %scan3A_3 = arith.constant 0 : i32
    %scan3A_4 = arith.constant 320 : i32
    %scan3A_5 = arith.addi %scan3A_3, %scan3A_4 : i32
    %scan3A_6 = arith.constant 1 : i32
    scf.for %scan3A_14 = %scan3A_3 to %scan3A_5 step %scan3A_6  : i32 {
      %broadcast_in_dim3A = arith.constant 0.000000e+00 : f32
      %broadcast_in_dim3A_15 = vector.broadcast %broadcast_in_dim3A : f32 to vector<16xf32>
      %mul3A_16 = arith.constant 16 : i32
      %mul3A_17 = arith.muli %scan3A_14, %mul3A_16 : i32
      %swap3A = arith.index_cast %mul3A_17 : i32 to index
      %swap3A_18 = tpu.vector_load %arg8[%swap3A] {strides = array<i32>} : memref<5120xf32, #tpu.memory_space<vmem>>, vector<16xf32>,
      tpu.vector_store %arg8[%swap3A], %broadcast_in_dim3A_15 {strides = array<i32>} : memref<5120xf32, #tpu.memory_space<vmem>>, vector<16xf32>,
      %broadcast_in_dim3A_19 = arith.constant 0 : i32
      %broadcast_in_dim3A_20 = vector.broadcast %broadcast_in_dim3A_19 : i32 to vector<16xi32>
      %mul3A_21 = arith.constant 16 : i32
      %mul3A_22 = arith.muli %scan3A_14, %mul3A_21 : i32
      %swap3A_23 = arith.index_cast %mul3A_22 : i32 to index
      %swap3A_24 = tpu.vector_load %arg9[%swap3A_23] {strides = array<i32>} : memref<5120xi32, #tpu.memory_space<vmem>>, vector<16xi32>,
      tpu.vector_store %arg9[%swap3A_23], %broadcast_in_dim3A_20 {strides = array<i32>} : memref<5120xi32, #tpu.memory_space<vmem>>, vector<16xi32>,
    }
    %scan3A_7 = arith.constant 320 : i32
    %scan3A_8 = arith.constant 0 : i32
    %scan3A_9 = arith.constant 0 : i32
    %scan3A_10 = arith.constant 784 : i32
    %scan3A_11 = arith.addi %scan3A_9, %scan3A_10 : i32
    %scan3A_12 = arith.constant 1 : i32
    scf.for %scan3A_14 = %scan3A_9 to %scan3A_11 step %scan3A_12  : i32 {
      %mul3A_15 = arith.constant 16 : i32
      %mul3A_16 = arith.muli %scan3A_14, %mul3A_15 : i32
      %get3A = arith.index_cast %mul3A_16 : i32 to index
      %get3A_17 = tpu.vector_load %arg6[%get3A] {strides = array<i32>} : memref<12544xf32, #tpu.memory_space<vmem>>, vector<16xf32>,
      %mul3A_18 = arith.constant 16 : i32
      %mul3A_19 = arith.muli %scan3A_14, %mul3A_18 : i32
      %get3A_20 = arith.index_cast %mul3A_19 : i32 to index
      %get3A_21 = tpu.vector_load %arg7[%get3A_20] {strides = array<i32>} : memref<12544xi32, #tpu.memory_space<vmem>>, vector<16xi32>,
      %mul3A_22 = arith.constant 16 : i32
      %mul3A_23 = arith.muli %scan3A_14, %mul3A_22 : i32
      %add3A_24 = arith.addi %mul3A_2, %mul3A_23 : i32
      %add3A_25 = vector.broadcast %add3A_24 : i32 to vector<16xi32>
      %add3A_26 = arith.addi %add3A_25, %iota3A : vector<16xi32>
      %ge3A = arith.constant 0 : i32
      %ge3A_27 = vector.broadcast %ge3A : i32 to vector<16xi32>
      %ge3A_28 = arith.cmpi sge, %get3A_21, %ge3A_27 : vector<16xi32>
      %jit3A = arith.constant 0 : i32
      %broadcast_in_dim3A = vector.broadcast %jit3A : i32 to vector<16xi32>
      %select_n3A = arith.select %ge3A_28, %get3A_21, %broadcast_in_dim3A : vector<16xi1>, vector<16xi32>
      tpu.vector_store_idx %arg8[%select_n3A], %get3A_17 masked %ge3A_28 : memref<5120xf32, #tpu.memory_space<vmem>>[vector<16xi32>], vector<16xf32>, vector<16xi1>
      tpu.vector_store_idx %arg9[%select_n3A], %add3A_26 masked %ge3A_28 : memref<5120xi32, #tpu.memory_space<vmem>>[vector<16xi32>], vector<16xi32>, vector<16xi1>
    }
    %scan3A_13 = arith.constant 784 : i32
    "tpu.region"() ({
      %run_scoped3A = tpu.sem_alloc : memref<!tpu.dma_semaphore, #tpu.memory_space<semaphore_mem>>
      %dma_start3A = arith.constant 0 : i32
      %dma_start3A_14 = tpu.memref_slice %arg4[%add3A, %dma_start3A] : memref<32x5120xf32, #tpu.memory_space<hbm>> -> memref<1x5120xf32, #tpu.memory_space<hbm>>
      %dma_start3A_15 = tpu.memref_squeeze %dma_start3A_14 : memref<1x5120xf32, #tpu.memory_space<hbm>> -> memref<5120xf32, #tpu.memory_space<hbm>>
      %dma_start3A_16 = arith.constant 0 : i32
      %dma_start3A_17 = tpu.memref_slice %arg4[%add3A, %dma_start3A_16] : memref<32x5120xf32, #tpu.memory_space<hbm>> -> memref<1x5120xf32, #tpu.memory_space<hbm>>
      %dma_start3A_18 = tpu.memref_squeeze %dma_start3A_17 : memref<1x5120xf32, #tpu.memory_space<hbm>> -> memref<5120xf32, #tpu.memory_space<hbm>>
      tpu.enqueue_dma source(%arg8 : memref<5120xf32, #tpu.memory_space<vmem>>) target(%dma_start3A_18 : memref<5120xf32, #tpu.memory_space<hbm>>) target_semaphore(%run_scoped3A : memref<!tpu.dma_semaphore, #tpu.memory_space<semaphore_mem>>)
      %dma_wait3A = arith.constant 0 : i32
      %dma_wait3A_19 = tpu.memref_slice %arg4[%add3A, %dma_wait3A] : memref<32x5120xf32, #tpu.memory_space<hbm>> -> memref<1x5120xf32, #tpu.memory_space<hbm>>
      %dma_wait3A_20 = tpu.memref_squeeze %dma_wait3A_19 : memref<1x5120xf32, #tpu.memory_space<hbm>> -> memref<5120xf32, #tpu.memory_space<hbm>>
      %dma_wait3A_21 = arith.constant 0 : i32
      %dma_wait3A_22 = tpu.memref_slice %arg4[%add3A, %dma_wait3A_21] : memref<32x5120xf32, #tpu.memory_space<hbm>> -> memref<1x5120xf32, #tpu.memory_space<hbm>>
      %dma_wait3A_23 = tpu.memref_squeeze %dma_wait3A_22 : memref<1x5120xf32, #tpu.memory_space<hbm>> -> memref<5120xf32, #tpu.memory_space<hbm>>
      tpu.wait_dma2 semaphore(%run_scoped3A : memref<!tpu.dma_semaphore, #tpu.memory_space<semaphore_mem>>) src(%arg8 : memref<5120xf32, #tpu.memory_space<vmem>>) dst(%dma_wait3A_23 : memref<5120xf32, #tpu.memory_space<hbm>>)
      tpu.yield
    }) : () -> ()
    "tpu.region"() ({
      %run_scoped3A = tpu.sem_alloc : memref<!tpu.dma_semaphore, #tpu.memory_space<semaphore_mem>>
      %dma_start3A = arith.constant 0 : i32
      %dma_start3A_14 = tpu.memref_slice %arg5[%add3A, %dma_start3A] : memref<32x5120xi32, #tpu.memory_space<hbm>> -> memref<1x5120xi32, #tpu.memory_space<hbm>>
      %dma_start3A_15 = tpu.memref_squeeze %dma_start3A_14 : memref<1x5120xi32, #tpu.memory_space<hbm>> -> memref<5120xi32, #tpu.memory_space<hbm>>
      %dma_start3A_16 = arith.constant 0 : i32
      %dma_start3A_17 = tpu.memref_slice %arg5[%add3A, %dma_start3A_16] : memref<32x5120xi32, #tpu.memory_space<hbm>> -> memref<1x5120xi32, #tpu.memory_space<hbm>>
      %dma_start3A_18 = tpu.memref_squeeze %dma_start3A_17 : memref<1x5120xi32, #tpu.memory_space<hbm>> -> memref<5120xi32, #tpu.memory_space<hbm>>
      tpu.enqueue_dma source(%arg9 : memref<5120xi32, #tpu.memory_space<vmem>>) target(%dma_start3A_18 : memref<5120xi32, #tpu.memory_space<hbm>>) target_semaphore(%run_scoped3A : memref<!tpu.dma_semaphore, #tpu.memory_space<semaphore_mem>>)
      %dma_wait3A = arith.constant 0 : i32
      %dma_wait3A_19 = tpu.memref_slice %arg5[%add3A, %dma_wait3A] : memref<32x5120xi32, #tpu.memory_space<hbm>> -> memref<1x5120xi32, #tpu.memory_space<hbm>>
      %dma_wait3A_20 = tpu.memref_squeeze %dma_wait3A_19 : memref<1x5120xi32, #tpu.memory_space<hbm>> -> memref<5120xi32, #tpu.memory_space<hbm>>
      %dma_wait3A_21 = arith.constant 0 : i32
      %dma_wait3A_22 = tpu.memref_slice %arg5[%add3A, %dma_wait3A_21] : memref<32x5120xi32, #tpu.memory_space<hbm>> -> memref<1x5120xi32, #tpu.memory_space<hbm>>
      %dma_wait3A_23 = tpu.memref_squeeze %dma_wait3A_22 : memref<1x5120xi32, #tpu.memory_space<hbm>> -> memref<5120xi32, #tpu.memory_space<hbm>>
      tpu.wait_dma2 semaphore(%run_scoped3A : memref<!tpu.dma_semaphore, #tpu.memory_space<semaphore_mem>>) src(%arg9 : memref<5120xi32, #tpu.memory_space<vmem>>) dst(%dma_wait3A_23 : memref<5120xi32, #tpu.memory_space<hbm>>)
      tpu.yield
    }) : () -> ()
    return
  }
}

module attributes {stable_mosaic.version = 14 : i64} {
  func.func @_a_body(%arg0: memref<3125x128xf32, #tpu.memory_space<vmem>>, %arg1: memref<3136x128xf32, #tpu.memory_space<vmem>>, %arg2: memref<3136x128xi32, #tpu.memory_space<vmem>>, %arg3: memref<3136x8xf32, #tpu.memory_space<vmem>>) attributes {dimension_semantics = [], scalar_prefetch = 0 : i64, scratch_operands = 1 : i64, tpu.core_type = #tpu.core_type<tc>} {
    %get3A = arith.constant 0 : index
    %get3A_0 = arith.constant 0 : index
    %get3A_1 = vector.load %arg0[%get3A, %get3A_0] : memref<3125x128xf32, #tpu.memory_space<vmem>>, vector<3125x128xf32>
    %logistic3A = arith.negf %get3A_1 : vector<3125x128xf32>
    %logistic3A_2 = math.exp %logistic3A : vector<3125x128xf32>
    %logistic3A_3 = arith.constant 1.000000e+00 : f32
    %logistic3A_4 = vector.broadcast %logistic3A_3 : f32 to vector<3125x128xf32>
    %logistic3A_5 = arith.addf %logistic3A_4, %logistic3A_2 : vector<3125x128xf32>
    %logistic3A_6 = arith.divf %logistic3A_4, %logistic3A_5 : vector<3125x128xf32>
    %swap3A = arith.constant 0 : index
    %swap3A_7 = arith.constant 0 : index
    %swap3A_8 = vector.load %arg1[%swap3A, %swap3A_7] : memref<3136x128xf32, #tpu.memory_space<vmem>>, vector<3125x128xf32>
    tpu.vector_store %arg1[%swap3A, %swap3A_7], %logistic3A_6 {strides = array<i32>} : memref<3136x128xf32, #tpu.memory_space<vmem>>, vector<3125x128xf32>,
    %broadcast_in_dim3A = arith.constant 0.000000e+00 : f32
    %broadcast_in_dim3A_9 = vector.broadcast %broadcast_in_dim3A : f32 to vector<11x128xf32>
    %swap3A_10 = arith.constant 3125 : index
    %swap3A_11 = arith.constant 0 : index
    %swap3A_12 = vector.load %arg1[%swap3A_10, %swap3A_11] : memref<3136x128xf32, #tpu.memory_space<vmem>>, vector<11x128xf32>
    tpu.vector_store %arg1[%swap3A_10, %swap3A_11], %broadcast_in_dim3A_9 {strides = array<i32>} : memref<3136x128xf32, #tpu.memory_space<vmem>>, vector<11x128xf32>,
    %get3A_13 = arith.constant 0 : index
    %get3A_14 = arith.constant 0 : index
    %get3A_15 = vector.load %arg1[%get3A_13, %get3A_14] : memref<3136x128xf32, #tpu.memory_space<vmem>>, vector<3136x128xf32>
    %bitcast_convert_type3A = tpu.bitcast %get3A_15 : vector<3136x128xf32> -> vector<3136x128xi32>
    %while3A = arith.constant 0 : i32
    %while3A_16 = arith.constant 1065353216 : i32
    %while3A_17:2 = scf.while (%while3A_93 = %while3A, %while3A_94 = %while3A_16) : (i32, i32) -> (i32, i32) {
      %sub3A_95 = arith.subi %while3A_94, %while3A_93 : i32
      %gt3A_96 = arith.constant 1 : i32
      %gt3A_97 = arith.cmpi sgt, %sub3A_95, %gt3A_96 : i32
      scf.condition(%gt3A_97) %while3A_93, %while3A_94 : i32, i32
    } do {
    ^bb0(%while3A_93: i32, %while3A_94: i32):
      %sub3A_95 = arith.subi %while3A_94, %while3A_93 : i32
      %jit3A_96 = arith.constant 4 : i32
      %div3A = arith.divsi %sub3A_95, %jit3A_96 : i32
      %sign3A = arith.constant 0 : i32
      %sign3A_97 = arith.cmpi sgt, %sub3A_95, %sign3A : i32
      %sign3A_98 = arith.extui %sign3A_97 : i1 to i32
      %sign3A_99 = arith.constant 0 : i32
      %sign3A_100 = arith.cmpi slt, %sub3A_95, %sign3A_99 : i32
      %sign3A_101 = arith.extui %sign3A_100 : i1 to i32
      %sign3A_102 = arith.subi %sign3A_98, %sign3A_101 : i32
      %sign3A_103 = arith.constant 0 : i32
      %sign3A_104 = arith.cmpi sgt, %jit3A_96, %sign3A_103 : i32
      %sign3A_105 = arith.extui %sign3A_104 : i1 to i32
      %sign3A_106 = arith.constant 0 : i32
      %sign3A_107 = arith.cmpi slt, %jit3A_96, %sign3A_106 : i32
      %sign3A_108 = arith.extui %sign3A_107 : i1 to i32
      %sign3A_109 = arith.subi %sign3A_105, %sign3A_108 : i32
      %ne3A = arith.cmpi ne, %sign3A_102, %sign3A_109 : i32
      %rem3A = arith.remsi %sub3A_95, %jit3A_96 : i32
      %ne3A_110 = arith.constant 0 : i32
      %ne3A_111 = arith.cmpi ne, %rem3A, %ne3A_110 : i32
      %and3A = arith.andi %ne3A, %ne3A_111 : i1
      %sub3A_112 = arith.constant 1 : i32
      %sub3A_113 = arith.subi %div3A, %sub3A_112 : i32
      %select_n3A_114 = arith.select %and3A, %sub3A_113, %div3A : i32
      %add3A_115 = arith.addi %while3A_93, %select_n3A_114 : i32
      %jit3A_116 = arith.constant 2 : i32
      %div3A_117 = arith.divsi %sub3A_95, %jit3A_116 : i32
      %sign3A_118 = arith.constant 0 : i32
      %sign3A_119 = arith.cmpi sgt, %sub3A_95, %sign3A_118 : i32
      %sign3A_120 = arith.extui %sign3A_119 : i1 to i32
      %sign3A_121 = arith.constant 0 : i32
      %sign3A_122 = arith.cmpi slt, %sub3A_95, %sign3A_121 : i32
      %sign3A_123 = arith.extui %sign3A_122 : i1 to i32
      %sign3A_124 = arith.subi %sign3A_120, %sign3A_123 : i32
      %sign3A_125 = arith.constant 0 : i32
      %sign3A_126 = arith.cmpi sgt, %jit3A_116, %sign3A_125 : i32
      %sign3A_127 = arith.extui %sign3A_126 : i1 to i32
      %sign3A_128 = arith.constant 0 : i32
      %sign3A_129 = arith.cmpi slt, %jit3A_116, %sign3A_128 : i32
      %sign3A_130 = arith.extui %sign3A_129 : i1 to i32
      %sign3A_131 = arith.subi %sign3A_127, %sign3A_130 : i32
      %ne3A_132 = arith.cmpi ne, %sign3A_124, %sign3A_131 : i32
      %rem3A_133 = arith.remsi %sub3A_95, %jit3A_116 : i32
      %ne3A_134 = arith.constant 0 : i32
      %ne3A_135 = arith.cmpi ne, %rem3A_133, %ne3A_134 : i32
      %and3A_136 = arith.andi %ne3A_132, %ne3A_135 : i1
      %sub3A_137 = arith.constant 1 : i32
      %sub3A_138 = arith.subi %div3A_117, %sub3A_137 : i32
      %select_n3A_139 = arith.select %and3A_136, %sub3A_138, %div3A_117 : i32
      %add3A_140 = arith.addi %while3A_93, %select_n3A_139 : i32
      %add3A_141 = arith.addi %while3A_93, %sub3A_95 : i32
      %jit3A_142 = arith.constant 4 : i32
      %div3A_143 = arith.divsi %sub3A_95, %jit3A_142 : i32
      %sign3A_144 = arith.constant 0 : i32
      %sign3A_145 = arith.cmpi sgt, %sub3A_95, %sign3A_144 : i32
      %sign3A_146 = arith.extui %sign3A_145 : i1 to i32
      %sign3A_147 = arith.constant 0 : i32
      %sign3A_148 = arith.cmpi slt, %sub3A_95, %sign3A_147 : i32
      %sign3A_149 = arith.extui %sign3A_148 : i1 to i32
      %sign3A_150 = arith.subi %sign3A_146, %sign3A_149 : i32
      %sign3A_151 = arith.constant 0 : i32
      %sign3A_152 = arith.cmpi sgt, %jit3A_142, %sign3A_151 : i32
      %sign3A_153 = arith.extui %sign3A_152 : i1 to i32
      %sign3A_154 = arith.constant 0 : i32
      %sign3A_155 = arith.cmpi slt, %jit3A_142, %sign3A_154 : i32
      %sign3A_156 = arith.extui %sign3A_155 : i1 to i32
      %sign3A_157 = arith.subi %sign3A_153, %sign3A_156 : i32
      %ne3A_158 = arith.cmpi ne, %sign3A_150, %sign3A_157 : i32
      %rem3A_159 = arith.remsi %sub3A_95, %jit3A_142 : i32
      %ne3A_160 = arith.constant 0 : i32
      %ne3A_161 = arith.cmpi ne, %rem3A_159, %ne3A_160 : i32
      %and3A_162 = arith.andi %ne3A_158, %ne3A_161 : i1
      %sub3A_163 = arith.constant 1 : i32
      %sub3A_164 = arith.subi %div3A_143, %sub3A_163 : i32
      %select_n3A_165 = arith.select %and3A_162, %sub3A_164, %div3A_143 : i32
      %sub3A_166 = arith.subi %add3A_141, %select_n3A_165 : i32
      %gt3A_167 = vector.broadcast %add3A_115 : i32 to vector<3136x128xi32>
      %gt3A_168 = arith.cmpi sgt, %bitcast_convert_type3A, %gt3A_167 : vector<3136x128xi32>
      %jit3A_169 = arith.constant 1 : i32
      %jit3A_170 = arith.constant 0 : i32
      %broadcast_in_dim3A_171 = vector.broadcast %jit3A_169 : i32 to vector<3136x128xi32>
      %broadcast_in_dim3A_172 = vector.broadcast %jit3A_170 : i32 to vector<3136x128xi32>
      %select_n3A_173 = arith.select %gt3A_168, %broadcast_in_dim3A_171, %broadcast_in_dim3A_172 : vector<3136x128xi1>, vector<3136x128xi32>
      %reduce_sum3A_174 = vector.shape_cast %select_n3A_173 : vector<3136x128xi32> to vector<1x3136x128xi32>
      %reduce_sum3A_175 = arith.constant dense<0> : vector<1xi32>
      %reduce_sum3A_176 = vector.multi_reduction <add>, %reduce_sum3A_174, %reduce_sum3A_175 [1, 2] : vector<1x3136x128xi32> to vector<1xi32>
      %reduce_sum3A_177 = vector.shape_cast %reduce_sum3A_176 : vector<1xi32> to vector<1x1x1xi32>
      %reduce_sum3A_178 = vector.extract %reduce_sum3A_177[0, 0, 0] : i32 from vector<1x1x1xi32>
      %gt3A_179 = vector.broadcast %add3A_140 : i32 to vector<3136x128xi32>
      %gt3A_180 = arith.cmpi sgt, %bitcast_convert_type3A, %gt3A_179 : vector<3136x128xi32>
      %jit3A_181 = arith.constant 1 : i32
      %jit3A_182 = arith.constant 0 : i32
      %broadcast_in_dim3A_183 = vector.broadcast %jit3A_181 : i32 to vector<3136x128xi32>
      %broadcast_in_dim3A_184 = vector.broadcast %jit3A_182 : i32 to vector<3136x128xi32>
      %select_n3A_185 = arith.select %gt3A_180, %broadcast_in_dim3A_183, %broadcast_in_dim3A_184 : vector<3136x128xi1>, vector<3136x128xi32>
      %reduce_sum3A_186 = vector.shape_cast %select_n3A_185 : vector<3136x128xi32> to vector<1x3136x128xi32>
      %reduce_sum3A_187 = arith.constant dense<0> : vector<1xi32>
      %reduce_sum3A_188 = vector.multi_reduction <add>, %reduce_sum3A_186, %reduce_sum3A_187 [1, 2] : vector<1x3136x128xi32> to vector<1xi32>
      %reduce_sum3A_189 = vector.shape_cast %reduce_sum3A_188 : vector<1xi32> to vector<1x1x1xi32>
      %reduce_sum3A_190 = vector.extract %reduce_sum3A_189[0, 0, 0] : i32 from vector<1x1x1xi32>
      %gt3A_191 = vector.broadcast %sub3A_166 : i32 to vector<3136x128xi32>
      %gt3A_192 = arith.cmpi sgt, %bitcast_convert_type3A, %gt3A_191 : vector<3136x128xi32>
      %jit3A_193 = arith.constant 1 : i32
      %jit3A_194 = arith.constant 0 : i32
      %broadcast_in_dim3A_195 = vector.broadcast %jit3A_193 : i32 to vector<3136x128xi32>
      %broadcast_in_dim3A_196 = vector.broadcast %jit3A_194 : i32 to vector<3136x128xi32>
      %select_n3A_197 = arith.select %gt3A_192, %broadcast_in_dim3A_195, %broadcast_in_dim3A_196 : vector<3136x128xi1>, vector<3136x128xi32>
      %reduce_sum3A_198 = vector.shape_cast %select_n3A_197 : vector<3136x128xi32> to vector<1x3136x128xi32>
      %reduce_sum3A_199 = arith.constant dense<0> : vector<1xi32>
      %reduce_sum3A_200 = vector.multi_reduction <add>, %reduce_sum3A_198, %reduce_sum3A_199 [1, 2] : vector<1x3136x128xi32> to vector<1xi32>
      %reduce_sum3A_201 = vector.shape_cast %reduce_sum3A_200 : vector<1xi32> to vector<1x1x1xi32>
      %reduce_sum3A_202 = vector.extract %reduce_sum3A_201[0, 0, 0] : i32 from vector<1x1x1xi32>
      %ge3A = arith.constant 5000 : i32
      %ge3A_203 = arith.cmpi sge, %reduce_sum3A_202, %ge3A : i32
      %ge3A_204 = arith.constant 5000 : i32
      %ge3A_205 = arith.cmpi sge, %reduce_sum3A_190, %ge3A_204 : i32
      %ge3A_206 = arith.constant 5000 : i32
      %ge3A_207 = arith.cmpi sge, %reduce_sum3A_178, %ge3A_206 : i32
      %select_n3A_208 = arith.select %ge3A_207, %add3A_115, %while3A_93 : i32
      %select_n3A_209 = arith.select %ge3A_205, %add3A_140, %select_n3A_208 : i32
      %select_n3A_210 = arith.select %ge3A_203, %sub3A_166, %select_n3A_209 : i32
      %lt3A_211 = arith.constant 5000 : i32
      %lt3A_212 = arith.cmpi slt, %reduce_sum3A_178, %lt3A_211 : i32
      %lt3A_213 = arith.constant 5000 : i32
      %lt3A_214 = arith.cmpi slt, %reduce_sum3A_190, %lt3A_213 : i32
      %lt3A_215 = arith.constant 5000 : i32
      %lt3A_216 = arith.cmpi slt, %reduce_sum3A_202, %lt3A_215 : i32
      %select_n3A_217 = arith.select %lt3A_216, %sub3A_166, %while3A_94 : i32
      %select_n3A_218 = arith.select %lt3A_214, %add3A_140, %select_n3A_217 : i32
      %select_n3A_219 = arith.select %lt3A_212, %add3A_115, %select_n3A_218 : i32
      scf.yield %select_n3A_210, %select_n3A_219 : i32, i32
    }
    %gt3A = vector.broadcast %while3A_17#1 : i32 to vector<3136x128xi32>
    %gt3A_18 = arith.cmpi sgt, %bitcast_convert_type3A, %gt3A : vector<3136x128xi32>
    %jit3A = arith.constant 1.000000e+00 : f32
    %jit3A_19 = arith.constant 0.000000e+00 : f32
    %broadcast_in_dim3A_20 = vector.broadcast %jit3A : f32 to vector<3136x128xf32>
    %broadcast_in_dim3A_21 = vector.broadcast %jit3A_19 : f32 to vector<3136x128xf32>
    %select_n3A = arith.select %gt3A_18, %broadcast_in_dim3A_20, %broadcast_in_dim3A_21 : vector<3136x128xi1>, vector<3136x128xf32>
    %eq3A = vector.broadcast %while3A_17#1 : i32 to vector<3136x128xi32>
    %eq3A_22 = arith.cmpi eq, %bitcast_convert_type3A, %eq3A : vector<3136x128xi32>
    %jit3A_23 = arith.constant 1.000000e+00 : f32
    %jit3A_24 = arith.constant 0.000000e+00 : f32
    %broadcast_in_dim3A_25 = vector.broadcast %jit3A_23 : f32 to vector<3136x128xf32>
    %broadcast_in_dim3A_26 = vector.broadcast %jit3A_24 : f32 to vector<3136x128xf32>
    %select_n3A_27 = arith.select %eq3A_22, %broadcast_in_dim3A_25, %broadcast_in_dim3A_26 : vector<3136x128xi1>, vector<3136x128xf32>
    %iota3A = tpu.iota {dimensions = array<i32: 0>} : vector<128x128xi32>
    %iota3A_28 = tpu.iota {dimensions = array<i32: 1>} : vector<128x128xi32>
    %lt3A = arith.cmpi slt, %iota3A, %iota3A_28 : vector<128x128xi32>
    %jit3A_29 = arith.constant 1.000000e+00 : f32
    %jit3A_30 = arith.constant 0.000000e+00 : f32
    %broadcast_in_dim3A_31 = vector.broadcast %jit3A_29 : f32 to vector<128x128xf32>
    %broadcast_in_dim3A_32 = vector.broadcast %jit3A_30 : f32 to vector<128x128xf32>
    %select_n3A_33 = arith.select %lt3A, %broadcast_in_dim3A_31, %broadcast_in_dim3A_32 : vector<128x128xi1>, vector<128x128xf32>
    %dot_general3A = arith.constant dense<0.000000e+00> : vector<3136x128xf32>
    %dot_general3A_34 = tpu.matmul %select_n3A, %select_n3A_33, %dot_general3A {dimension_numbers = #tpu.dot_dimension_numbers<[1], [0], [0], [1], [0, 0, 1, 1], [], []>, transpose_lhs_hint = false} : vector<3136x128xf32>, vector<128x128xf32>, vector<3136x128xf32> -> vector<3136x128xf32>
    %dot_general3A_35 = arith.constant dense<0.000000e+00> : vector<3136x128xf32>
    %dot_general3A_36 = tpu.matmul %select_n3A_27, %select_n3A_33, %dot_general3A_35 {dimension_numbers = #tpu.dot_dimension_numbers<[1], [0], [0], [1], [0, 0, 1, 1], [], []>, transpose_lhs_hint = false} : vector<3136x128xf32>, vector<128x128xf32>, vector<3136x128xf32> -> vector<3136x128xf32>
    %reduce_sum3A = arith.constant dense<0.000000e+00> : vector<3136xf32>
    %reduce_sum3A_37 = vector.multi_reduction <add>, %select_n3A, %reduce_sum3A [1] : vector<3136x128xf32> to vector<3136xf32>
    %broadcast_in_dim3A_38 = vector.shape_cast %reduce_sum3A_37 : vector<3136xf32> to vector<3136x1xf32>
    %swap3A_39 = arith.constant 0 : index
    %swap3A_40 = arith.constant 0 : index
    %swap3A_41 = vector.load %arg3[%swap3A_39, %swap3A_40] : memref<3136x8xf32, #tpu.memory_space<vmem>>, vector<3136x1xf32>
    tpu.vector_store %arg3[%swap3A_39, %swap3A_40], %broadcast_in_dim3A_38 {strides = array<i32>} : memref<3136x8xf32, #tpu.memory_space<vmem>>, vector<3136x1xf32>,
    %reduce_sum3A_42 = arith.constant dense<0.000000e+00> : vector<3136xf32>
    %reduce_sum3A_43 = vector.multi_reduction <add>, %select_n3A_27, %reduce_sum3A_42 [1] : vector<3136x128xf32> to vector<3136xf32>
    %broadcast_in_dim3A_44 = vector.shape_cast %reduce_sum3A_43 : vector<3136xf32> to vector<3136x1xf32>
    %swap3A_45 = arith.constant 0 : index
    %swap3A_46 = arith.constant 1 : index
    %swap3A_47 = vector.load %arg3[%swap3A_45, %swap3A_46] : memref<3136x8xf32, #tpu.memory_space<vmem>>, vector<3136x1xf32>
    tpu.vector_store %arg3[%swap3A_45, %swap3A_46], %broadcast_in_dim3A_44 {strides = array<i32>} : memref<3136x8xf32, #tpu.memory_space<vmem>>, vector<3136x1xf32>,
    %iota3A_48 = tpu.iota {dimensions = array<i32: 0>} : vector<392x392xi32>
    %iota3A_49 = tpu.iota {dimensions = array<i32: 1>} : vector<392x392xi32>
    %lt3A_50 = arith.cmpi slt, %iota3A_49, %iota3A_48 : vector<392x392xi32>
    %jit3A_51 = arith.constant 1.000000e+00 : f32
    %jit3A_52 = arith.constant 0.000000e+00 : f32
    %broadcast_in_dim3A_53 = vector.broadcast %jit3A_51 : f32 to vector<392x392xf32>
    %broadcast_in_dim3A_54 = vector.broadcast %jit3A_52 : f32 to vector<392x392xf32>
    %select_n3A_55 = arith.select %lt3A_50, %broadcast_in_dim3A_53, %broadcast_in_dim3A_54 : vector<392x392xi1>, vector<392x392xf32>
    %scan3A = arith.constant 0.000000e+00 : f32
    %scan3A_56 = arith.constant 0.000000e+00 : f32
    %scan3A_57 = arith.constant 0 : i32
    %scan3A_58 = arith.constant 8 : i32
    %scan3A_59 = arith.addi %scan3A_57, %scan3A_58 : i32
    %scan3A_60 = arith.constant 1 : i32
    %scan3A_61:2 = scf.for %scan3A_93 = %scan3A_57 to %scan3A_59 step %scan3A_60 iter_args(%scan3A_94 = %scan3A, %scan3A_95 = %scan3A_56) -> (f32, f32)  : i32 {
      %mul3A = arith.constant 392 : i32
      %mul3A_96 = arith.muli %scan3A_93, %mul3A : i32
      %get3A_97 = arith.index_cast %mul3A_96 : i32 to index
      %get3A_98 = arith.constant 0 : index
      %get3A_99 = vector.load %arg3[%get3A_97, %get3A_98] : memref<3136x8xf32, #tpu.memory_space<vmem>>, vector<392x1xf32>
      %mul3A_100 = arith.constant 392 : i32
      %mul3A_101 = arith.muli %scan3A_93, %mul3A_100 : i32
      %get3A_102 = arith.index_cast %mul3A_101 : i32 to index
      %get3A_103 = arith.constant 1 : index
      %get3A_104 = vector.load %arg3[%get3A_102, %get3A_103] : memref<3136x8xf32, #tpu.memory_space<vmem>>, vector<392x1xf32>
      %dot_general3A_105 = arith.constant dense<0.000000e+00> : vector<392x1xf32>
      %dot_general3A_106 = tpu.matmul %select_n3A_55, %get3A_99, %dot_general3A_105 {dimension_numbers = #tpu.dot_dimension_numbers<[1], [0], [0], [1], [0, 0, 1, 1], [], []>, transpose_lhs_hint = false} : vector<392x392xf32>, vector<392x1xf32>, vector<392x1xf32> -> vector<392x1xf32>
      %add3A_107 = vector.broadcast %scan3A_94 : f32 to vector<392x1xf32>
      %add3A_108 = arith.addf %dot_general3A_106, %add3A_107 : vector<392x1xf32>
      %mul3A_109 = arith.constant 392 : i32
      %mul3A_110 = arith.muli %scan3A_93, %mul3A_109 : i32
      %swap3A_111 = arith.index_cast %mul3A_110 : i32 to index
      %swap3A_112 = arith.constant 2 : index
      %swap3A_113 = vector.load %arg3[%swap3A_111, %swap3A_112] : memref<3136x8xf32, #tpu.memory_space<vmem>>, vector<392x1xf32>
      tpu.vector_store %arg3[%swap3A_111, %swap3A_112], %add3A_108 {strides = array<i32>} : memref<3136x8xf32, #tpu.memory_space<vmem>>, vector<392x1xf32>,
      %dot_general3A_114 = arith.constant dense<0.000000e+00> : vector<392x1xf32>
      %dot_general3A_115 = tpu.matmul %select_n3A_55, %get3A_104, %dot_general3A_114 {dimension_numbers = #tpu.dot_dimension_numbers<[1], [0], [0], [1], [0, 0, 1, 1], [], []>, transpose_lhs_hint = false} : vector<392x392xf32>, vector<392x1xf32>, vector<392x1xf32> -> vector<392x1xf32>
      %add3A_116 = vector.broadcast %scan3A_95 : f32 to vector<392x1xf32>
      %add3A_117 = arith.addf %dot_general3A_115, %add3A_116 : vector<392x1xf32>
      %mul3A_118 = arith.constant 392 : i32
      %mul3A_119 = arith.muli %scan3A_93, %mul3A_118 : i32
      %swap3A_120 = arith.index_cast %mul3A_119 : i32 to index
      %swap3A_121 = arith.constant 3 : index
      %swap3A_122 = vector.load %arg3[%swap3A_120, %swap3A_121] : memref<3136x8xf32, #tpu.memory_space<vmem>>, vector<392x1xf32>
      tpu.vector_store %arg3[%swap3A_120, %swap3A_121], %add3A_117 {strides = array<i32>} : memref<3136x8xf32, #tpu.memory_space<vmem>>, vector<392x1xf32>,
      %reduce_sum3A_123 = vector.shape_cast %get3A_99 : vector<392x1xf32> to vector<1x392x1xf32>
      %reduce_sum3A_124 = arith.constant dense<0.000000e+00> : vector<1xf32>
      %reduce_sum3A_125 = vector.multi_reduction <add>, %reduce_sum3A_123, %reduce_sum3A_124 [1, 2] : vector<1x392x1xf32> to vector<1xf32>
      %reduce_sum3A_126 = vector.shape_cast %reduce_sum3A_125 : vector<1xf32> to vector<1x1x1xf32>
      %reduce_sum3A_127 = vector.extract %reduce_sum3A_126[0, 0, 0] : f32 from vector<1x1x1xf32>
      %add3A_128 = arith.addf %scan3A_94, %reduce_sum3A_127 : f32
      %reduce_sum3A_129 = vector.shape_cast %get3A_104 : vector<392x1xf32> to vector<1x392x1xf32>
      %reduce_sum3A_130 = arith.constant dense<0.000000e+00> : vector<1xf32>
      %reduce_sum3A_131 = vector.multi_reduction <add>, %reduce_sum3A_129, %reduce_sum3A_130 [1, 2] : vector<1x392x1xf32> to vector<1xf32>
      %reduce_sum3A_132 = vector.shape_cast %reduce_sum3A_131 : vector<1xf32> to vector<1x1x1xf32>
      %reduce_sum3A_133 = vector.extract %reduce_sum3A_132[0, 0, 0] : f32 from vector<1x1x1xf32>
      %add3A_134 = arith.addf %scan3A_95, %reduce_sum3A_133 : f32
      scf.yield %add3A_128, %add3A_134 : f32, f32
    }
    %scan3A_62 = arith.constant 8 : i32
    %sub3A = arith.constant 5.000000e+03 : f32
    %sub3A_63 = arith.subf %sub3A, %scan3A_61#0 : f32
    %get3A_64 = arith.constant 0 : index
    %get3A_65 = arith.constant 2 : index
    %get3A_66 = vector.load %arg3[%get3A_64, %get3A_65] : memref<3136x8xf32, #tpu.memory_space<vmem>>, vector<3136x1xf32>
    %add3A = vector.broadcast %get3A_66 : vector<3136x1xf32> to vector<3136x128xf32>
    %add3A_67 = arith.addf %add3A, %dot_general3A_34 : vector<3136x128xf32>
    %get3A_68 = arith.constant 0 : index
    %get3A_69 = arith.constant 3 : index
    %get3A_70 = vector.load %arg3[%get3A_68, %get3A_69] : memref<3136x8xf32, #tpu.memory_space<vmem>>, vector<3136x1xf32>
    %add3A_71 = vector.broadcast %get3A_70 : vector<3136x1xf32> to vector<3136x128xf32>
    %add3A_72 = arith.addf %add3A_71, %dot_general3A_36 : vector<3136x128xf32>
    %gt3A_73 = arith.constant 5.000000e-01 : f32
    %gt3A_74 = vector.broadcast %gt3A_73 : f32 to vector<3136x128xf32>
    %gt3A_75 = arith.cmpf ogt, %select_n3A, %gt3A_74 : vector<3136x128xf32>
    %gt3A_76 = arith.constant 5.000000e-01 : f32
    %gt3A_77 = vector.broadcast %gt3A_76 : f32 to vector<3136x128xf32>
    %gt3A_78 = arith.cmpf ogt, %select_n3A_27, %gt3A_77 : vector<3136x128xf32>
    %lt3A_79 = vector.broadcast %sub3A_63 : f32 to vector<3136x128xf32>
    %lt3A_80 = arith.cmpf olt, %add3A_72, %lt3A_79 : vector<3136x128xf32>
    %add3A_81 = vector.broadcast %scan3A_61#0 : f32 to vector<3136x128xf32>
    %add3A_82 = arith.addf %add3A_81, %add3A_72 : vector<3136x128xf32>
    %jit3A_83 = arith.constant -1.000000e+00 : f32
    %broadcast_in_dim3A_84 = vector.broadcast %jit3A_83 : f32 to vector<3136x128xf32>
    %select_n3A_85 = arith.select %lt3A_80, %add3A_82, %broadcast_in_dim3A_84 : vector<3136x128xi1>, vector<3136x128xf32>
    %jit3A_86 = arith.constant -1.000000e+00 : f32
    %broadcast_in_dim3A_87 = vector.broadcast %jit3A_86 : f32 to vector<3136x128xf32>
    %select_n3A_88 = arith.select %gt3A_78, %select_n3A_85, %broadcast_in_dim3A_87 : vector<3136x128xi1>, vector<3136x128xf32>
    %select_n3A_89 = arith.select %gt3A_75, %add3A_67, %select_n3A_88 : vector<3136x128xi1>, vector<3136x128xf32>
    %convert_element_type3A = arith.fptosi %select_n3A_89 : vector<3136x128xf32> to vector<3136x128xi32>
    %swap3A_90 = arith.constant 0 : index
    %swap3A_91 = arith.constant 0 : index
    %swap3A_92 = vector.load %arg2[%swap3A_90, %swap3A_91] : memref<3136x128xi32, #tpu.memory_space<vmem>>, vector<3136x128xi32>
    tpu.vector_store %arg2[%swap3A_90, %swap3A_91], %convert_element_type3A {strides = array<i32>} : memref<3136x128xi32, #tpu.memory_space<vmem>>, vector<3136x128xi32>,
    return
  }
}

module attributes {stable_mosaic.version = 14 : i64} {
  func.func @_c_body(%arg0: memref<32x5120xf32, #tpu.memory_space<vmem>>, %arg1: memref<32x5120xi32, #tpu.memory_space<vmem>>, %arg2: memref<5120x16xf32, #tpu.memory_space<vmem>>, %arg3: memref<8x5120xf32, #tpu.memory_space<vmem>>, %arg4: memref<1x5120xf32, #tpu.memory_space<vmem>>, %arg5: memref<8x5120xf32, #tpu.memory_space<vmem>>, %arg6: memref<8x5120xf32, #tpu.memory_space<vmem>>) attributes {dimension_semantics = [], scalar_prefetch = 0 : i64, scratch_operands = 2 : i64, tpu.core_type = #tpu.core_type<tc>} {
    %iota3A = tpu.iota {dimensions = array<i32: 1>} : vector<1x5120xi32>
    %iota3A_0 = tpu.iota {dimensions = array<i32: 0>} : vector<256x256xi32>
    %iota3A_1 = tpu.iota {dimensions = array<i32: 1>} : vector<256x256xi32>
    %eq3A = arith.cmpi eq, %iota3A_0, %iota3A_1 : vector<256x256xi32>
    %jit3A = arith.constant 1.000000e+00 : f32
    %jit3A_2 = arith.constant 0.000000e+00 : f32
    %broadcast_in_dim3A = vector.broadcast %jit3A : f32 to vector<256x256xf32>
    %broadcast_in_dim3A_3 = vector.broadcast %jit3A_2 : f32 to vector<256x256xf32>
    %select_n3A = arith.select %eq3A, %broadcast_in_dim3A, %broadcast_in_dim3A_3 : vector<256x256xi1>, vector<256x256xf32>
    %lt3A = arith.constant 5000 : i32
    %lt3A_4 = vector.broadcast %lt3A : i32 to vector<1x5120xi32>
    %lt3A_5 = arith.cmpi slt, %iota3A, %lt3A_4 : vector<1x5120xi32>
    %get3A = arith.constant 0 : index
    %get3A_6 = arith.constant 0 : index
    %get3A_7 = vector.load %arg0[%get3A, %get3A_6] : memref<32x5120xf32, #tpu.memory_space<vmem>>, vector<32x5120xf32>
    %reduce_sum3A = arith.constant dense<0.000000e+00> : vector<5120xf32>
    %reduce_sum3A_8 = vector.multi_reduction <add>, %get3A_7, %reduce_sum3A [0] : vector<32x5120xf32> to vector<5120xf32>
    %broadcast_in_dim3A_9 = vector.shape_cast %reduce_sum3A_8 : vector<5120xf32> to vector<1x5120xf32>
    %get3A_10 = arith.constant 0 : index
    %get3A_11 = arith.constant 0 : index
    %get3A_12 = vector.load %arg1[%get3A_10, %get3A_11] : memref<32x5120xi32, #tpu.memory_space<vmem>>, vector<32x5120xi32>
    %reduce_sum3A_13 = arith.constant dense<0> : vector<5120xi32>
    %reduce_sum3A_14 = vector.multi_reduction <add>, %get3A_12, %reduce_sum3A_13 [0] : vector<32x5120xi32> to vector<5120xi32>
    %broadcast_in_dim3A_15 = vector.shape_cast %reduce_sum3A_14 : vector<5120xi32> to vector<1x5120xi32>
    %jit3A_16 = arith.constant 0.000000e+00 : f32
    %broadcast_in_dim3A_17 = vector.broadcast %jit3A_16 : f32 to vector<1x5120xf32>
    %select_n3A_18 = arith.select %lt3A_5, %broadcast_in_dim3A_9, %broadcast_in_dim3A_17 : vector<1x5120xi1>, vector<1x5120xf32>
    %jit3A_19 = arith.constant 0 : i32
    %broadcast_in_dim3A_20 = vector.broadcast %jit3A_19 : i32 to vector<1x5120xi32>
    %select_n3A_21 = arith.select %lt3A_5, %broadcast_in_dim3A_15, %broadcast_in_dim3A_20 : vector<1x5120xi1>, vector<1x5120xi32>
    %shift_right_arithmetic3A = arith.constant 16 : i32
    %shift_right_arithmetic3A_22 = vector.broadcast %shift_right_arithmetic3A : i32 to vector<1x5120xi32>
    %shift_right_arithmetic3A_23 = arith.shrsi %select_n3A_21, %shift_right_arithmetic3A_22 : vector<1x5120xi32>
    %convert_element_type3A = arith.sitofp %shift_right_arithmetic3A_23 : vector<1x5120xi32> to vector<1x5120xf32>
    %shift_right_arithmetic3A_24 = arith.constant 8 : i32
    %shift_right_arithmetic3A_25 = vector.broadcast %shift_right_arithmetic3A_24 : i32 to vector<1x5120xi32>
    %shift_right_arithmetic3A_26 = arith.shrsi %select_n3A_21, %shift_right_arithmetic3A_25 : vector<1x5120xi32>
    %and3A = arith.constant 255 : i32
    %and3A_27 = vector.broadcast %and3A : i32 to vector<1x5120xi32>
    %and3A_28 = arith.andi %shift_right_arithmetic3A_26, %and3A_27 : vector<1x5120xi32>
    %convert_element_type3A_29 = arith.sitofp %and3A_28 : vector<1x5120xi32> to vector<1x5120xf32>
    %and3A_30 = arith.constant 255 : i32
    %and3A_31 = vector.broadcast %and3A_30 : i32 to vector<1x5120xi32>
    %and3A_32 = arith.andi %select_n3A_21, %and3A_31 : vector<1x5120xi32>
    %convert_element_type3A_33 = arith.sitofp %and3A_32 : vector<1x5120xi32> to vector<1x5120xf32>
    %swap3A = arith.constant 5 : index
    %swap3A_34 = arith.constant 0 : index
    %swap3A_35 = vector.load %arg6[%swap3A, %swap3A_34] : memref<8x5120xf32, #tpu.memory_space<vmem>>, vector<1x5120xf32>
    tpu.vector_store %arg6[%swap3A, %swap3A_34], %select_n3A_18 {strides = array<i32>} : memref<8x5120xf32, #tpu.memory_space<vmem>>, vector<1x5120xf32>,
    %convert_element_type3A_36 = arith.sitofp %iota3A : vector<1x5120xi32> to vector<1x5120xf32>
    %scan3A = arith.constant 0 : i32
    %scan3A_37 = arith.constant 20 : i32
    %scan3A_38 = arith.addi %scan3A, %scan3A_37 : i32
    %scan3A_39 = arith.constant 1 : i32
    scf.for %scan3A_175 = %scan3A to %scan3A_38 step %scan3A_39  : i32 {
      %mul3A_176 = arith.constant 256 : i32
      %mul3A_177 = arith.muli %scan3A_175, %mul3A_176 : i32
      %get3A_178 = arith.constant 5 : index
      %get3A_179 = arith.index_cast %mul3A_177 : i32 to index
      %get3A_180 = vector.load %arg6[%get3A_178, %get3A_179] : memref<8x5120xf32, #tpu.memory_space<vmem>>, vector<1x256xf32>
      %mul3A_181 = vector.broadcast %get3A_180 : vector<1x256xf32> to vector<256x256xf32>
      %mul3A_182 = arith.mulf %select_n3A, %mul3A_181 : vector<256x256xf32>
      %reduce_sum3A_183 = arith.constant dense<0.000000e+00> : vector<256xf32>
      %reduce_sum3A_184 = vector.multi_reduction <add>, %mul3A_182, %reduce_sum3A_183 [1] : vector<256x256xf32> to vector<256xf32>
      %broadcast_in_dim3A_185 = vector.shape_cast %reduce_sum3A_184 : vector<256xf32> to vector<256x1xf32>
      %iota3A_186 = tpu.iota {dimensions = array<i32: 0>} : vector<256x1xi32>
      %add3A_187 = vector.broadcast %mul3A_177 : i32 to vector<256x1xi32>
      %add3A_188 = arith.addi %add3A_187, %iota3A_186 : vector<256x1xi32>
      %convert_element_type3A_189 = arith.sitofp %add3A_188 : vector<256x1xi32> to vector<256x1xf32>
      %gt3A = vector.broadcast %select_n3A_18 : vector<1x5120xf32> to vector<256x5120xf32>
      %gt3A_190 = vector.broadcast %broadcast_in_dim3A_185 : vector<256x1xf32> to vector<256x5120xf32>
      %gt3A_191 = arith.cmpf ogt, %gt3A, %gt3A_190 : vector<256x5120xf32>
      %jit3A_192 = arith.constant 1.000000e+00 : f32
      %jit3A_193 = arith.constant 0.000000e+00 : f32
      %broadcast_in_dim3A_194 = vector.broadcast %jit3A_192 : f32 to vector<256x5120xf32>
      %broadcast_in_dim3A_195 = vector.broadcast %jit3A_193 : f32 to vector<256x5120xf32>
      %select_n3A_196 = arith.select %gt3A_191, %broadcast_in_dim3A_194, %broadcast_in_dim3A_195 : vector<256x5120xi1>, vector<256x5120xf32>
      %eq3A_197 = vector.broadcast %select_n3A_18 : vector<1x5120xf32> to vector<256x5120xf32>
      %eq3A_198 = vector.broadcast %broadcast_in_dim3A_185 : vector<256x1xf32> to vector<256x5120xf32>
      %eq3A_199 = arith.cmpf oeq, %eq3A_197, %eq3A_198 : vector<256x5120xf32>
      %jit3A_200 = arith.constant 1.000000e+00 : f32
      %jit3A_201 = arith.constant 0.000000e+00 : f32
      %broadcast_in_dim3A_202 = vector.broadcast %jit3A_200 : f32 to vector<256x5120xf32>
      %broadcast_in_dim3A_203 = vector.broadcast %jit3A_201 : f32 to vector<256x5120xf32>
      %select_n3A_204 = arith.select %eq3A_199, %broadcast_in_dim3A_202, %broadcast_in_dim3A_203 : vector<256x5120xi1>, vector<256x5120xf32>
      %lt3A_205 = vector.broadcast %convert_element_type3A_36 : vector<1x5120xf32> to vector<256x5120xf32>
      %lt3A_206 = vector.broadcast %convert_element_type3A_189 : vector<256x1xf32> to vector<256x5120xf32>
      %lt3A_207 = arith.cmpf olt, %lt3A_205, %lt3A_206 : vector<256x5120xf32>
      %jit3A_208 = arith.constant 1.000000e+00 : f32
      %jit3A_209 = arith.constant 0.000000e+00 : f32
      %broadcast_in_dim3A_210 = vector.broadcast %jit3A_208 : f32 to vector<256x5120xf32>
      %broadcast_in_dim3A_211 = vector.broadcast %jit3A_209 : f32 to vector<256x5120xf32>
      %select_n3A_212 = arith.select %lt3A_207, %broadcast_in_dim3A_210, %broadcast_in_dim3A_211 : vector<256x5120xi1>, vector<256x5120xf32>
      %mul3A_213 = arith.mulf %select_n3A_204, %select_n3A_212 : vector<256x5120xf32>
      %add3A_214 = arith.addf %select_n3A_196, %mul3A_213 : vector<256x5120xf32>
      %reduce_sum3A_215 = arith.constant dense<0.000000e+00> : vector<256xf32>
      %reduce_sum3A_216 = vector.multi_reduction <add>, %add3A_214, %reduce_sum3A_215 [1] : vector<256x5120xf32> to vector<256xf32>
      %broadcast_in_dim3A_217 = vector.shape_cast %reduce_sum3A_216 : vector<256xf32> to vector<256x1xf32>
      %mul3A_218 = vector.broadcast %broadcast_in_dim3A_217 : vector<256x1xf32> to vector<256x256xf32>
      %mul3A_219 = arith.mulf %select_n3A, %mul3A_218 : vector<256x256xf32>
      %reduce_sum3A_220 = arith.constant dense<0.000000e+00> : vector<256xf32>
      %reduce_sum3A_221 = vector.multi_reduction <add>, %mul3A_219, %reduce_sum3A_220 [0] : vector<256x256xf32> to vector<256xf32>
      %broadcast_in_dim3A_222 = vector.shape_cast %reduce_sum3A_221 : vector<256xf32> to vector<1x256xf32>
      %swap3A_223 = arith.constant 6 : index
      %swap3A_224 = arith.index_cast %mul3A_177 : i32 to index
      %swap3A_225 = vector.load %arg5[%swap3A_223, %swap3A_224] : memref<8x5120xf32, #tpu.memory_space<vmem>>, vector<1x256xf32>
      tpu.vector_store %arg5[%swap3A_223, %swap3A_224], %broadcast_in_dim3A_222 {strides = array<i32>} : memref<8x5120xf32, #tpu.memory_space<vmem>>, vector<1x256xf32>,
    }
    %scan3A_40 = arith.constant 20 : i32
    %get3A_41 = arith.constant 6 : index
    %get3A_42 = arith.constant 0 : index
    %get3A_43 = vector.load %arg5[%get3A_41, %get3A_42] : memref<8x5120xf32, #tpu.memory_space<vmem>>, vector<1x5120xf32>
    %get3A_44 = arith.constant 0 : index
    %get3A_45 = arith.constant 0 : index
    %get3A_46 = vector.load %arg2[%get3A_44, %get3A_45] : memref<5120x16xf32, #tpu.memory_space<vmem>>, vector<5120x16xf32>
    %scan3A_47 = arith.constant 0 : i32
    %scan3A_48 = arith.constant 20 : i32
    %scan3A_49 = arith.addi %scan3A_47, %scan3A_48 : i32
    %scan3A_50 = arith.constant 1 : i32
    scf.for %scan3A_175 = %scan3A_47 to %scan3A_49 step %scan3A_50  : i32 {
      %mul3A_176 = arith.constant 256 : i32
      %mul3A_177 = arith.muli %scan3A_175, %mul3A_176 : i32
      %iota3A_178 = tpu.iota {dimensions = array<i32: 0>} : vector<256x1xi32>
      %add3A_179 = vector.broadcast %mul3A_177 : i32 to vector<256x1xi32>
      %add3A_180 = arith.addi %add3A_179, %iota3A_178 : vector<256x1xi32>
      %convert_element_type3A_181 = arith.sitofp %add3A_180 : vector<256x1xi32> to vector<256x1xf32>
      %eq3A_182 = vector.broadcast %get3A_43 : vector<1x5120xf32> to vector<256x5120xf32>
      %eq3A_183 = vector.broadcast %convert_element_type3A_181 : vector<256x1xf32> to vector<256x5120xf32>
      %eq3A_184 = arith.cmpf oeq, %eq3A_182, %eq3A_183 : vector<256x5120xf32>
      %jit3A_185 = arith.constant 1.000000e+00 : f32
      %jit3A_186 = arith.constant 0.000000e+00 : f32
      %broadcast_in_dim3A_187 = vector.broadcast %jit3A_185 : f32 to vector<256x5120xf32>
      %broadcast_in_dim3A_188 = vector.broadcast %jit3A_186 : f32 to vector<256x5120xf32>
      %select_n3A_189 = arith.select %eq3A_184, %broadcast_in_dim3A_187, %broadcast_in_dim3A_188 : vector<256x5120xi1>, vector<256x5120xf32>
      %dot_general3A = arith.constant dense<0.000000e+00> : vector<256x1xf32>
      %dot_general3A_190 = tpu.matmul %select_n3A_189, %select_n3A_18, %dot_general3A {dimension_numbers = #tpu.dot_dimension_numbers<[1], [1], [0], [0], [0, 0, 1, 0], [], []>, precision = #tpu.contract_precision<fp32>, transpose_lhs_hint = false} : vector<256x5120xf32>, vector<1x5120xf32>, vector<256x1xf32> -> vector<256x1xf32>
      %dot_general3A_191 = arith.constant dense<0.000000e+00> : vector<256x1xf32>
      %dot_general3A_192 = tpu.matmul %select_n3A_189, %convert_element_type3A, %dot_general3A_191 {dimension_numbers = #tpu.dot_dimension_numbers<[1], [1], [0], [0], [0, 0, 1, 0], [], []>, precision = #tpu.contract_precision<fp32>, transpose_lhs_hint = false} : vector<256x5120xf32>, vector<1x5120xf32>, vector<256x1xf32> -> vector<256x1xf32>
      %mul3A_193 = arith.constant 6.553600e+04 : f32
      %mul3A_194 = vector.broadcast %mul3A_193 : f32 to vector<256x1xf32>
      %mul3A_195 = arith.mulf %dot_general3A_192, %mul3A_194 : vector<256x1xf32>
      %dot_general3A_196 = arith.constant dense<0.000000e+00> : vector<256x1xf32>
      %dot_general3A_197 = tpu.matmul %select_n3A_189, %convert_element_type3A_29, %dot_general3A_196 {dimension_numbers = #tpu.dot_dimension_numbers<[1], [1], [0], [0], [0, 0, 1, 0], [], []>, precision = #tpu.contract_precision<fp32>, transpose_lhs_hint = false} : vector<256x5120xf32>, vector<1x5120xf32>, vector<256x1xf32> -> vector<256x1xf32>
      %mul3A_198 = arith.constant 2.560000e+02 : f32
      %mul3A_199 = vector.broadcast %mul3A_198 : f32 to vector<256x1xf32>
      %mul3A_200 = arith.mulf %dot_general3A_197, %mul3A_199 : vector<256x1xf32>
      %add3A_201 = arith.addf %mul3A_195, %mul3A_200 : vector<256x1xf32>
      %dot_general3A_202 = arith.constant dense<0.000000e+00> : vector<256x1xf32>
      %dot_general3A_203 = tpu.matmul %select_n3A_189, %convert_element_type3A_33, %dot_general3A_202 {dimension_numbers = #tpu.dot_dimension_numbers<[1], [1], [0], [0], [0, 0, 1, 0], [], []>, precision = #tpu.contract_precision<fp32>, transpose_lhs_hint = false} : vector<256x5120xf32>, vector<1x5120xf32>, vector<256x1xf32> -> vector<256x1xf32>
      %add3A_204 = arith.addf %add3A_201, %dot_general3A_203 : vector<256x1xf32>
      %convert_element_type3A_205 = arith.fptosi %add3A_204 : vector<256x1xf32> to vector<256x1xi32>
      %jit3A_206 = arith.constant 80 : i32
      %div3A = vector.broadcast %jit3A_206 : i32 to vector<256x1xi32>
      %div3A_207 = arith.divsi %convert_element_type3A_205, %div3A : vector<256x1xi32>
      %sign3A = arith.constant 0 : i32
      %sign3A_208 = vector.broadcast %sign3A : i32 to vector<256x1xi32>
      %sign3A_209 = arith.cmpi sgt, %convert_element_type3A_205, %sign3A_208 : vector<256x1xi32>
      %sign3A_210 = arith.extui %sign3A_209 : vector<256x1xi1> to vector<256x1xi32>
      %sign3A_211 = arith.constant 0 : i32
      %sign3A_212 = vector.broadcast %sign3A_211 : i32 to vector<256x1xi32>
      %sign3A_213 = arith.cmpi slt, %convert_element_type3A_205, %sign3A_212 : vector<256x1xi32>
      %sign3A_214 = arith.extui %sign3A_213 : vector<256x1xi1> to vector<256x1xi32>
      %sign3A_215 = arith.subi %sign3A_210, %sign3A_214 : vector<256x1xi32>
      %sign3A_216 = arith.constant 0 : i32
      %sign3A_217 = arith.cmpi sgt, %jit3A_206, %sign3A_216 : i32
      %sign3A_218 = arith.extui %sign3A_217 : i1 to i32
      %sign3A_219 = arith.constant 0 : i32
      %sign3A_220 = arith.cmpi slt, %jit3A_206, %sign3A_219 : i32
      %sign3A_221 = arith.extui %sign3A_220 : i1 to i32
      %sign3A_222 = arith.subi %sign3A_218, %sign3A_221 : i32
      %ne3A = vector.broadcast %sign3A_222 : i32 to vector<256x1xi32>
      %ne3A_223 = arith.cmpi ne, %sign3A_215, %ne3A : vector<256x1xi32>
      %rem3A = vector.broadcast %jit3A_206 : i32 to vector<256x1xi32>
      %rem3A_224 = arith.remsi %convert_element_type3A_205, %rem3A : vector<256x1xi32>
      %ne3A_225 = arith.constant 0 : i32
      %ne3A_226 = vector.broadcast %ne3A_225 : i32 to vector<256x1xi32>
      %ne3A_227 = arith.cmpi ne, %rem3A_224, %ne3A_226 : vector<256x1xi32>
      %and3A_228 = arith.andi %ne3A_223, %ne3A_227 : vector<256x1xi1>
      %sub3A_229 = arith.constant 1 : i32
      %sub3A_230 = vector.broadcast %sub3A_229 : i32 to vector<256x1xi32>
      %sub3A_231 = arith.subi %div3A_207, %sub3A_230 : vector<256x1xi32>
      %select_n3A_232 = arith.select %and3A_228, %sub3A_231, %div3A_207 : vector<256x1xi1>, vector<256x1xi32>
      %mul3A_233 = arith.constant 80 : i32
      %mul3A_234 = vector.broadcast %mul3A_233 : i32 to vector<256x1xi32>
      %mul3A_235 = arith.muli %select_n3A_232, %mul3A_234 : vector<256x1xi32>
      %sub3A_236 = arith.subi %convert_element_type3A_205, %mul3A_235 : vector<256x1xi32>
      %convert_element_type3A_237 = arith.sitofp %select_n3A_232 : vector<256x1xi32> to vector<256x1xf32>
      %eq3A_238 = vector.broadcast %convert_element_type3A_36 : vector<1x5120xf32> to vector<256x5120xf32>
      %eq3A_239 = vector.broadcast %convert_element_type3A_237 : vector<256x1xf32> to vector<256x5120xf32>
      %eq3A_240 = arith.cmpf oeq, %eq3A_238, %eq3A_239 : vector<256x5120xf32>
      %jit3A_241 = arith.constant 1.000000e+00 : f32
      %jit3A_242 = arith.constant 0.000000e+00 : f32
      %broadcast_in_dim3A_243 = vector.broadcast %jit3A_241 : f32 to vector<256x5120xf32>
      %broadcast_in_dim3A_244 = vector.broadcast %jit3A_242 : f32 to vector<256x5120xf32>
      %select_n3A_245 = arith.select %eq3A_240, %broadcast_in_dim3A_243, %broadcast_in_dim3A_244 : vector<256x5120xi1>, vector<256x5120xf32>
      %dot_general3A_246 = arith.constant dense<0.000000e+00> : vector<256x16xf32>
      %dot_general3A_247 = tpu.matmul %select_n3A_245, %get3A_46, %dot_general3A_246 {dimension_numbers = #tpu.dot_dimension_numbers<[1], [0], [0], [1], [0, 0, 1, 1], [], []>, precision = #tpu.contract_precision<fp32>, transpose_lhs_hint = false} : vector<256x5120xf32>, vector<5120x16xf32>, vector<256x16xf32> -> vector<256x16xf32>
      %slice3A = vector.extract_strided_slice %dot_general3A_247 {offsets = [0, 0], sizes = [256, 1], strides = [1, 1]} : vector<256x16xf32> to vector<256x1xf32>
      %convert_element_type3A_248 = arith.fptosi %slice3A : vector<256x1xf32> to vector<256x1xi32>
      %slice3A_249 = vector.extract_strided_slice %dot_general3A_247 {offsets = [0, 1], sizes = [256, 1], strides = [1, 1]} : vector<256x16xf32> to vector<256x1xf32>
      %convert_element_type3A_250 = arith.fptosi %slice3A_249 : vector<256x1xf32> to vector<256x1xi32>
      %slice3A_251 = vector.extract_strided_slice %dot_general3A_247 {offsets = [0, 2], sizes = [256, 1], strides = [1, 1]} : vector<256x16xf32> to vector<256x1xf32>
      %convert_element_type3A_252 = arith.fptosi %slice3A_251 : vector<256x1xf32> to vector<256x1xi32>
      %slice3A_253 = vector.extract_strided_slice %dot_general3A_247 {offsets = [0, 3], sizes = [256, 1], strides = [1, 1]} : vector<256x16xf32> to vector<256x1xf32>
      %convert_element_type3A_254 = arith.fptosi %slice3A_253 : vector<256x1xf32> to vector<256x1xi32>
      %mul3A_255 = arith.constant 16777216 : i32
      %mul3A_256 = vector.broadcast %mul3A_255 : i32 to vector<256x1xi32>
      %mul3A_257 = arith.muli %convert_element_type3A_248, %mul3A_256 : vector<256x1xi32>
      %mul3A_258 = arith.constant 65536 : i32
      %mul3A_259 = vector.broadcast %mul3A_258 : i32 to vector<256x1xi32>
      %mul3A_260 = arith.muli %convert_element_type3A_250, %mul3A_259 : vector<256x1xi32>
      %add3A_261 = arith.addi %mul3A_257, %mul3A_260 : vector<256x1xi32>
      %mul3A_262 = arith.constant 256 : i32
      %mul3A_263 = vector.broadcast %mul3A_262 : i32 to vector<256x1xi32>
      %mul3A_264 = arith.muli %convert_element_type3A_252, %mul3A_263 : vector<256x1xi32>
      %add3A_265 = arith.addi %add3A_261, %mul3A_264 : vector<256x1xi32>
      %add3A_266 = arith.addi %add3A_265, %convert_element_type3A_254 : vector<256x1xi32>
      %bitcast_convert_type3A = tpu.bitcast %add3A_266 : vector<256x1xi32> -> vector<256x1xf32>
      %slice3A_267 = vector.extract_strided_slice %dot_general3A_247 {offsets = [0, 4], sizes = [256, 1], strides = [1, 1]} : vector<256x16xf32> to vector<256x1xf32>
      %convert_element_type3A_268 = arith.fptosi %slice3A_267 : vector<256x1xf32> to vector<256x1xi32>
      %slice3A_269 = vector.extract_strided_slice %dot_general3A_247 {offsets = [0, 5], sizes = [256, 1], strides = [1, 1]} : vector<256x16xf32> to vector<256x1xf32>
      %convert_element_type3A_270 = arith.fptosi %slice3A_269 : vector<256x1xf32> to vector<256x1xi32>
      %slice3A_271 = vector.extract_strided_slice %dot_general3A_247 {offsets = [0, 6], sizes = [256, 1], strides = [1, 1]} : vector<256x16xf32> to vector<256x1xf32>
      %convert_element_type3A_272 = arith.fptosi %slice3A_271 : vector<256x1xf32> to vector<256x1xi32>
      %slice3A_273 = vector.extract_strided_slice %dot_general3A_247 {offsets = [0, 7], sizes = [256, 1], strides = [1, 1]} : vector<256x16xf32> to vector<256x1xf32>
      %convert_element_type3A_274 = arith.fptosi %slice3A_273 : vector<256x1xf32> to vector<256x1xi32>
      %mul3A_275 = arith.constant 16777216 : i32
      %mul3A_276 = vector.broadcast %mul3A_275 : i32 to vector<256x1xi32>
      %mul3A_277 = arith.muli %convert_element_type3A_268, %mul3A_276 : vector<256x1xi32>
      %mul3A_278 = arith.constant 65536 : i32
      %mul3A_279 = vector.broadcast %mul3A_278 : i32 to vector<256x1xi32>
      %mul3A_280 = arith.muli %convert_element_type3A_270, %mul3A_279 : vector<256x1xi32>
      %add3A_281 = arith.addi %mul3A_277, %mul3A_280 : vector<256x1xi32>
      %mul3A_282 = arith.constant 256 : i32
      %mul3A_283 = vector.broadcast %mul3A_282 : i32 to vector<256x1xi32>
      %mul3A_284 = arith.muli %convert_element_type3A_272, %mul3A_283 : vector<256x1xi32>
      %add3A_285 = arith.addi %add3A_281, %mul3A_284 : vector<256x1xi32>
      %add3A_286 = arith.addi %add3A_285, %convert_element_type3A_274 : vector<256x1xi32>
      %bitcast_convert_type3A_287 = tpu.bitcast %add3A_286 : vector<256x1xi32> -> vector<256x1xf32>
      %slice3A_288 = vector.extract_strided_slice %dot_general3A_247 {offsets = [0, 8], sizes = [256, 1], strides = [1, 1]} : vector<256x16xf32> to vector<256x1xf32>
      %convert_element_type3A_289 = arith.fptosi %slice3A_288 : vector<256x1xf32> to vector<256x1xi32>
      %slice3A_290 = vector.extract_strided_slice %dot_general3A_247 {offsets = [0, 9], sizes = [256, 1], strides = [1, 1]} : vector<256x16xf32> to vector<256x1xf32>
      %convert_element_type3A_291 = arith.fptosi %slice3A_290 : vector<256x1xf32> to vector<256x1xi32>
      %slice3A_292 = vector.extract_strided_slice %dot_general3A_247 {offsets = [0, 10], sizes = [256, 1], strides = [1, 1]} : vector<256x16xf32> to vector<256x1xf32>
      %convert_element_type3A_293 = arith.fptosi %slice3A_292 : vector<256x1xf32> to vector<256x1xi32>
      %slice3A_294 = vector.extract_strided_slice %dot_general3A_247 {offsets = [0, 11], sizes = [256, 1], strides = [1, 1]} : vector<256x16xf32> to vector<256x1xf32>
      %convert_element_type3A_295 = arith.fptosi %slice3A_294 : vector<256x1xf32> to vector<256x1xi32>
      %mul3A_296 = arith.constant 16777216 : i32
      %mul3A_297 = vector.broadcast %mul3A_296 : i32 to vector<256x1xi32>
      %mul3A_298 = arith.muli %convert_element_type3A_289, %mul3A_297 : vector<256x1xi32>
      %mul3A_299 = arith.constant 65536 : i32
      %mul3A_300 = vector.broadcast %mul3A_299 : i32 to vector<256x1xi32>
      %mul3A_301 = arith.muli %convert_element_type3A_291, %mul3A_300 : vector<256x1xi32>
      %add3A_302 = arith.addi %mul3A_298, %mul3A_301 : vector<256x1xi32>
      %mul3A_303 = arith.constant 256 : i32
      %mul3A_304 = vector.broadcast %mul3A_303 : i32 to vector<256x1xi32>
      %mul3A_305 = arith.muli %convert_element_type3A_293, %mul3A_304 : vector<256x1xi32>
      %add3A_306 = arith.addi %add3A_302, %mul3A_305 : vector<256x1xi32>
      %add3A_307 = arith.addi %add3A_306, %convert_element_type3A_295 : vector<256x1xi32>
      %bitcast_convert_type3A_308 = tpu.bitcast %add3A_307 : vector<256x1xi32> -> vector<256x1xf32>
      %slice3A_309 = vector.extract_strided_slice %dot_general3A_247 {offsets = [0, 12], sizes = [256, 1], strides = [1, 1]} : vector<256x16xf32> to vector<256x1xf32>
      %convert_element_type3A_310 = arith.fptosi %slice3A_309 : vector<256x1xf32> to vector<256x1xi32>
      %slice3A_311 = vector.extract_strided_slice %dot_general3A_247 {offsets = [0, 13], sizes = [256, 1], strides = [1, 1]} : vector<256x16xf32> to vector<256x1xf32>
      %convert_element_type3A_312 = arith.fptosi %slice3A_311 : vector<256x1xf32> to vector<256x1xi32>
      %slice3A_313 = vector.extract_strided_slice %dot_general3A_247 {offsets = [0, 14], sizes = [256, 1], strides = [1, 1]} : vector<256x16xf32> to vector<256x1xf32>
      %convert_element_type3A_314 = arith.fptosi %slice3A_313 : vector<256x1xf32> to vector<256x1xi32>
      %slice3A_315 = vector.extract_strided_slice %dot_general3A_247 {offsets = [0, 15], sizes = [256, 1], strides = [1, 1]} : vector<256x16xf32> to vector<256x1xf32>
      %convert_element_type3A_316 = arith.fptosi %slice3A_315 : vector<256x1xf32> to vector<256x1xi32>
      %mul3A_317 = arith.constant 16777216 : i32
      %mul3A_318 = vector.broadcast %mul3A_317 : i32 to vector<256x1xi32>
      %mul3A_319 = arith.muli %convert_element_type3A_310, %mul3A_318 : vector<256x1xi32>
      %mul3A_320 = arith.constant 65536 : i32
      %mul3A_321 = vector.broadcast %mul3A_320 : i32 to vector<256x1xi32>
      %mul3A_322 = arith.muli %convert_element_type3A_312, %mul3A_321 : vector<256x1xi32>
      %add3A_323 = arith.addi %mul3A_319, %mul3A_322 : vector<256x1xi32>
      %mul3A_324 = arith.constant 256 : i32
      %mul3A_325 = vector.broadcast %mul3A_324 : i32 to vector<256x1xi32>
      %mul3A_326 = arith.muli %convert_element_type3A_314, %mul3A_325 : vector<256x1xi32>
      %add3A_327 = arith.addi %add3A_323, %mul3A_326 : vector<256x1xi32>
      %add3A_328 = arith.addi %add3A_327, %convert_element_type3A_316 : vector<256x1xi32>
      %bitcast_convert_type3A_329 = tpu.bitcast %add3A_328 : vector<256x1xi32> -> vector<256x1xf32>
      %mul3A_330 = arith.constant 5.000000e-01 : f32
      %mul3A_331 = vector.broadcast %mul3A_330 : f32 to vector<256x1xf32>
      %mul3A_332 = arith.mulf %mul3A_331, %bitcast_convert_type3A_308 : vector<256x1xf32>
      %sub3A_333 = arith.subf %bitcast_convert_type3A, %mul3A_332 : vector<256x1xf32>
      %mul3A_334 = arith.constant 6.400000e+02 : f32
      %mul3A_335 = vector.broadcast %mul3A_334 : f32 to vector<256x1xf32>
      %mul3A_336 = arith.mulf %sub3A_333, %mul3A_335 : vector<256x1xf32>
      %mul3A_337 = arith.constant 5.000000e-01 : f32
      %mul3A_338 = vector.broadcast %mul3A_337 : f32 to vector<256x1xf32>
      %mul3A_339 = arith.mulf %mul3A_338, %bitcast_convert_type3A_329 : vector<256x1xf32>
      %sub3A_340 = arith.subf %bitcast_convert_type3A_287, %mul3A_339 : vector<256x1xf32>
      %mul3A_341 = arith.constant 6.400000e+02 : f32
      %mul3A_342 = vector.broadcast %mul3A_341 : f32 to vector<256x1xf32>
      %mul3A_343 = arith.mulf %sub3A_340, %mul3A_342 : vector<256x1xf32>
      %mul3A_344 = arith.constant 5.000000e-01 : f32
      %mul3A_345 = vector.broadcast %mul3A_344 : f32 to vector<256x1xf32>
      %mul3A_346 = arith.mulf %mul3A_345, %bitcast_convert_type3A_308 : vector<256x1xf32>
      %add3A_347 = arith.addf %bitcast_convert_type3A, %mul3A_346 : vector<256x1xf32>
      %mul3A_348 = arith.constant 6.400000e+02 : f32
      %mul3A_349 = vector.broadcast %mul3A_348 : f32 to vector<256x1xf32>
      %mul3A_350 = arith.mulf %add3A_347, %mul3A_349 : vector<256x1xf32>
      %mul3A_351 = arith.constant 5.000000e-01 : f32
      %mul3A_352 = vector.broadcast %mul3A_351 : f32 to vector<256x1xf32>
      %mul3A_353 = arith.mulf %mul3A_352, %bitcast_convert_type3A_329 : vector<256x1xf32>
      %add3A_354 = arith.addf %bitcast_convert_type3A_287, %mul3A_353 : vector<256x1xf32>
      %mul3A_355 = arith.constant 6.400000e+02 : f32
      %mul3A_356 = vector.broadcast %mul3A_355 : f32 to vector<256x1xf32>
      %mul3A_357 = arith.mulf %add3A_354, %mul3A_356 : vector<256x1xf32>
      %mul3A_358 = vector.broadcast %mul3A_336 : vector<256x1xf32> to vector<256x256xf32>
      %mul3A_359 = arith.mulf %select_n3A, %mul3A_358 : vector<256x256xf32>
      %reduce_sum3A_360 = arith.constant dense<0.000000e+00> : vector<256xf32>
      %reduce_sum3A_361 = vector.multi_reduction <add>, %mul3A_359, %reduce_sum3A_360 [0] : vector<256x256xf32> to vector<256xf32>
      %broadcast_in_dim3A_362 = vector.shape_cast %reduce_sum3A_361 : vector<256xf32> to vector<1x256xf32>
      %swap3A_363 = arith.constant 0 : index
      %swap3A_364 = arith.index_cast %mul3A_177 : i32 to index
      %swap3A_365 = vector.load %arg5[%swap3A_363, %swap3A_364] : memref<8x5120xf32, #tpu.memory_space<vmem>>, vector<1x256xf32>
      tpu.vector_store %arg5[%swap3A_363, %swap3A_364], %broadcast_in_dim3A_362 {strides = array<i32>} : memref<8x5120xf32, #tpu.memory_space<vmem>>, vector<1x256xf32>,
      %mul3A_366 = vector.broadcast %mul3A_343 : vector<256x1xf32> to vector<256x256xf32>
      %mul3A_367 = arith.mulf %select_n3A, %mul3A_366 : vector<256x256xf32>
      %reduce_sum3A_368 = arith.constant dense<0.000000e+00> : vector<256xf32>
      %reduce_sum3A_369 = vector.multi_reduction <add>, %mul3A_367, %reduce_sum3A_368 [0] : vector<256x256xf32> to vector<256xf32>
      %broadcast_in_dim3A_370 = vector.shape_cast %reduce_sum3A_369 : vector<256xf32> to vector<1x256xf32>
      %swap3A_371 = arith.constant 1 : index
      %swap3A_372 = arith.index_cast %mul3A_177 : i32 to index
      %swap3A_373 = vector.load %arg5[%swap3A_371, %swap3A_372] : memref<8x5120xf32, #tpu.memory_space<vmem>>, vector<1x256xf32>
      tpu.vector_store %arg5[%swap3A_371, %swap3A_372], %broadcast_in_dim3A_370 {strides = array<i32>} : memref<8x5120xf32, #tpu.memory_space<vmem>>, vector<1x256xf32>,
      %mul3A_374 = vector.broadcast %mul3A_350 : vector<256x1xf32> to vector<256x256xf32>
      %mul3A_375 = arith.mulf %select_n3A, %mul3A_374 : vector<256x256xf32>
      %reduce_sum3A_376 = arith.constant dense<0.000000e+00> : vector<256xf32>
      %reduce_sum3A_377 = vector.multi_reduction <add>, %mul3A_375, %reduce_sum3A_376 [0] : vector<256x256xf32> to vector<256xf32>
      %broadcast_in_dim3A_378 = vector.shape_cast %reduce_sum3A_377 : vector<256xf32> to vector<1x256xf32>
      %swap3A_379 = arith.constant 2 : index
      %swap3A_380 = arith.index_cast %mul3A_177 : i32 to index
      %swap3A_381 = vector.load %arg5[%swap3A_379, %swap3A_380] : memref<8x5120xf32, #tpu.memory_space<vmem>>, vector<1x256xf32>
      tpu.vector_store %arg5[%swap3A_379, %swap3A_380], %broadcast_in_dim3A_378 {strides = array<i32>} : memref<8x5120xf32, #tpu.memory_space<vmem>>, vector<1x256xf32>,
      %mul3A_382 = vector.broadcast %mul3A_357 : vector<256x1xf32> to vector<256x256xf32>
      %mul3A_383 = arith.mulf %select_n3A, %mul3A_382 : vector<256x256xf32>
      %reduce_sum3A_384 = arith.constant dense<0.000000e+00> : vector<256xf32>
      %reduce_sum3A_385 = vector.multi_reduction <add>, %mul3A_383, %reduce_sum3A_384 [0] : vector<256x256xf32> to vector<256xf32>
      %broadcast_in_dim3A_386 = vector.shape_cast %reduce_sum3A_385 : vector<256xf32> to vector<1x256xf32>
      %swap3A_387 = arith.constant 3 : index
      %swap3A_388 = arith.index_cast %mul3A_177 : i32 to index
      %swap3A_389 = vector.load %arg5[%swap3A_387, %swap3A_388] : memref<8x5120xf32, #tpu.memory_space<vmem>>, vector<1x256xf32>
      tpu.vector_store %arg5[%swap3A_387, %swap3A_388], %broadcast_in_dim3A_386 {strides = array<i32>} : memref<8x5120xf32, #tpu.memory_space<vmem>>, vector<1x256xf32>,
      %convert_element_type3A_390 = arith.sitofp %sub3A_236 : vector<256x1xi32> to vector<256x1xf32>
      %mul3A_391 = vector.broadcast %convert_element_type3A_390 : vector<256x1xf32> to vector<256x256xf32>
      %mul3A_392 = arith.mulf %select_n3A, %mul3A_391 : vector<256x256xf32>
      %reduce_sum3A_393 = arith.constant dense<0.000000e+00> : vector<256xf32>
      %reduce_sum3A_394 = vector.multi_reduction <add>, %mul3A_392, %reduce_sum3A_393 [0] : vector<256x256xf32> to vector<256xf32>
      %broadcast_in_dim3A_395 = vector.shape_cast %reduce_sum3A_394 : vector<256xf32> to vector<1x256xf32>
      %swap3A_396 = arith.constant 4 : index
      %swap3A_397 = arith.index_cast %mul3A_177 : i32 to index
      %swap3A_398 = vector.load %arg5[%swap3A_396, %swap3A_397] : memref<8x5120xf32, #tpu.memory_space<vmem>>, vector<1x256xf32>
      tpu.vector_store %arg5[%swap3A_396, %swap3A_397], %broadcast_in_dim3A_395 {strides = array<i32>} : memref<8x5120xf32, #tpu.memory_space<vmem>>, vector<1x256xf32>,
      %mul3A_399 = vector.broadcast %dot_general3A_190 : vector<256x1xf32> to vector<256x256xf32>
      %mul3A_400 = arith.mulf %select_n3A, %mul3A_399 : vector<256x256xf32>
      %reduce_sum3A_401 = arith.constant dense<0.000000e+00> : vector<256xf32>
      %reduce_sum3A_402 = vector.multi_reduction <add>, %mul3A_400, %reduce_sum3A_401 [0] : vector<256x256xf32> to vector<256xf32>
      %broadcast_in_dim3A_403 = vector.shape_cast %reduce_sum3A_402 : vector<256xf32> to vector<1x256xf32>
      %swap3A_404 = arith.constant 5 : index
      %swap3A_405 = arith.index_cast %mul3A_177 : i32 to index
      %swap3A_406 = vector.load %arg5[%swap3A_404, %swap3A_405] : memref<8x5120xf32, #tpu.memory_space<vmem>>, vector<1x256xf32>
      tpu.vector_store %arg5[%swap3A_404, %swap3A_405], %broadcast_in_dim3A_403 {strides = array<i32>} : memref<8x5120xf32, #tpu.memory_space<vmem>>, vector<1x256xf32>,
    }
    %scan3A_51 = arith.constant 20 : i32
    %get3A_52 = arith.constant 0 : index
    %get3A_53 = arith.constant 0 : index
    %get3A_54 = vector.load %arg5[%get3A_52, %get3A_53] : memref<8x5120xf32, #tpu.memory_space<vmem>>, vector<1x5120xf32>
    %get3A_55 = arith.constant 1 : index
    %get3A_56 = arith.constant 0 : index
    %get3A_57 = vector.load %arg5[%get3A_55, %get3A_56] : memref<8x5120xf32, #tpu.memory_space<vmem>>, vector<1x5120xf32>
    %get3A_58 = arith.constant 2 : index
    %get3A_59 = arith.constant 0 : index
    %get3A_60 = vector.load %arg5[%get3A_58, %get3A_59] : memref<8x5120xf32, #tpu.memory_space<vmem>>, vector<1x5120xf32>
    %get3A_61 = arith.constant 3 : index
    %get3A_62 = arith.constant 0 : index
    %get3A_63 = vector.load %arg5[%get3A_61, %get3A_62] : memref<8x5120xf32, #tpu.memory_space<vmem>>, vector<1x5120xf32>
    %get3A_64 = arith.constant 4 : index
    %get3A_65 = arith.constant 0 : index
    %get3A_66 = vector.load %arg5[%get3A_64, %get3A_65] : memref<8x5120xf32, #tpu.memory_space<vmem>>, vector<1x5120xf32>
    %get3A_67 = arith.constant 5 : index
    %get3A_68 = arith.constant 0 : index
    %get3A_69 = vector.load %arg5[%get3A_67, %get3A_68] : memref<8x5120xf32, #tpu.memory_space<vmem>>, vector<1x5120xf32>
    %max3A = arith.maximumf %get3A_54, %get3A_57 : vector<1x5120xf32>
    %max3A_70 = arith.maximumf %get3A_60, %get3A_63 : vector<1x5120xf32>
    %max3A_71 = arith.maximumf %max3A, %max3A_70 : vector<1x5120xf32>
    %jit3A_72 = arith.constant -1.000000e+30 : f32
    %broadcast_in_dim3A_73 = vector.broadcast %jit3A_72 : f32 to vector<1x5120xf32>
    %select_n3A_74 = arith.select %lt3A_5, %max3A_71, %broadcast_in_dim3A_73 : vector<1x5120xi1>, vector<1x5120xf32>
    %reduce_max3A = vector.shape_cast %select_n3A_74 : vector<1x5120xf32> to vector<1x1x5120xf32>
    %reduce_max3A_75 = arith.constant dense<0xFF800000> : vector<1xf32>
    %reduce_max3A_76 = vector.multi_reduction <maximumf>, %reduce_max3A, %reduce_max3A_75 [1, 2] : vector<1x1x5120xf32> to vector<1xf32>
    %reduce_max3A_77 = vector.shape_cast %reduce_max3A_76 : vector<1xf32> to vector<1x1x1xf32>
    %reduce_max3A_78 = vector.extract %reduce_max3A_77[0, 0, 0] : f32 from vector<1x1x1xf32>
    %add3A = arith.constant 1.000000e+00 : f32
    %add3A_79 = arith.addf %reduce_max3A_78, %add3A : f32
    %mul3A = vector.broadcast %add3A_79 : f32 to vector<1x5120xf32>
    %mul3A_80 = arith.mulf %get3A_66, %mul3A : vector<1x5120xf32>
    %add3A_81 = arith.addf %get3A_54, %mul3A_80 : vector<1x5120xf32>
    %add3A_82 = arith.addf %get3A_57, %mul3A_80 : vector<1x5120xf32>
    %add3A_83 = arith.addf %get3A_60, %mul3A_80 : vector<1x5120xf32>
    %add3A_84 = arith.addf %get3A_63, %mul3A_80 : vector<1x5120xf32>
    %sub3A = arith.subf %add3A_83, %add3A_81 : vector<1x5120xf32>
    %sub3A_85 = arith.subf %add3A_84, %add3A_82 : vector<1x5120xf32>
    %mul3A_86 = arith.mulf %sub3A, %sub3A_85 : vector<1x5120xf32>
    %swap3A_87 = arith.constant 0 : index
    %swap3A_88 = arith.constant 0 : index
    %swap3A_89 = vector.load %arg6[%swap3A_87, %swap3A_88] : memref<8x5120xf32, #tpu.memory_space<vmem>>, vector<1x5120xf32>
    tpu.vector_store %arg6[%swap3A_87, %swap3A_88], %add3A_81 {strides = array<i32>} : memref<8x5120xf32, #tpu.memory_space<vmem>>, vector<1x5120xf32>,
    %swap3A_90 = arith.constant 1 : index
    %swap3A_91 = arith.constant 0 : index
    %swap3A_92 = vector.load %arg6[%swap3A_90, %swap3A_91] : memref<8x5120xf32, #tpu.memory_space<vmem>>, vector<1x5120xf32>
    tpu.vector_store %arg6[%swap3A_90, %swap3A_91], %add3A_82 {strides = array<i32>} : memref<8x5120xf32, #tpu.memory_space<vmem>>, vector<1x5120xf32>,
    %swap3A_93 = arith.constant 2 : index
    %swap3A_94 = arith.constant 0 : index
    %swap3A_95 = vector.load %arg6[%swap3A_93, %swap3A_94] : memref<8x5120xf32, #tpu.memory_space<vmem>>, vector<1x5120xf32>
    tpu.vector_store %arg6[%swap3A_93, %swap3A_94], %add3A_83 {strides = array<i32>} : memref<8x5120xf32, #tpu.memory_space<vmem>>, vector<1x5120xf32>,
    %swap3A_96 = arith.constant 3 : index
    %swap3A_97 = arith.constant 0 : index
    %swap3A_98 = vector.load %arg6[%swap3A_96, %swap3A_97] : memref<8x5120xf32, #tpu.memory_space<vmem>>, vector<1x5120xf32>
    tpu.vector_store %arg6[%swap3A_96, %swap3A_97], %add3A_84 {strides = array<i32>} : memref<8x5120xf32, #tpu.memory_space<vmem>>, vector<1x5120xf32>,
    %swap3A_99 = arith.constant 4 : index
    %swap3A_100 = arith.constant 0 : index
    %swap3A_101 = vector.load %arg6[%swap3A_99, %swap3A_100] : memref<8x5120xf32, #tpu.memory_space<vmem>>, vector<1x5120xf32>
    tpu.vector_store %arg6[%swap3A_99, %swap3A_100], %mul3A_86 {strides = array<i32>} : memref<8x5120xf32, #tpu.memory_space<vmem>>, vector<1x5120xf32>,
    %broadcast_in_dim3A_102 = arith.constant 0.000000e+00 : f32
    %broadcast_in_dim3A_103 = vector.broadcast %broadcast_in_dim3A_102 : f32 to vector<1x5120xf32>
    %swap3A_104 = arith.constant 7 : index
    %swap3A_105 = arith.constant 0 : index
    %swap3A_106 = vector.load %arg5[%swap3A_104, %swap3A_105] : memref<8x5120xf32, #tpu.memory_space<vmem>>, vector<1x5120xf32>
    tpu.vector_store %arg5[%swap3A_104, %swap3A_105], %broadcast_in_dim3A_103 {strides = array<i32>} : memref<8x5120xf32, #tpu.memory_space<vmem>>, vector<1x5120xf32>,
    %scan3A_107 = arith.constant 0 : i32
    %scan3A_108 = arith.constant 20 : i32
    %scan3A_109 = arith.addi %scan3A_107, %scan3A_108 : i32
    %scan3A_110 = arith.constant 1 : i32
    scf.for %scan3A_175 = %scan3A_107 to %scan3A_109 step %scan3A_110  : i32 {
      %mul3A_176 = arith.constant 256 : i32
      %mul3A_177 = arith.muli %scan3A_175, %mul3A_176 : i32
      %get3A_178 = arith.constant 0 : index
      %get3A_179 = arith.index_cast %mul3A_177 : i32 to index
      %get3A_180 = vector.load %arg6[%get3A_178, %get3A_179] : memref<8x5120xf32, #tpu.memory_space<vmem>>, vector<1x256xf32>
      %get3A_181 = arith.constant 1 : index
      %get3A_182 = arith.index_cast %mul3A_177 : i32 to index
      %get3A_183 = vector.load %arg6[%get3A_181, %get3A_182] : memref<8x5120xf32, #tpu.memory_space<vmem>>, vector<1x256xf32>
      %get3A_184 = arith.constant 2 : index
      %get3A_185 = arith.index_cast %mul3A_177 : i32 to index
      %get3A_186 = vector.load %arg6[%get3A_184, %get3A_185] : memref<8x5120xf32, #tpu.memory_space<vmem>>, vector<1x256xf32>
      %get3A_187 = arith.constant 3 : index
      %get3A_188 = arith.index_cast %mul3A_177 : i32 to index
      %get3A_189 = vector.load %arg6[%get3A_187, %get3A_188] : memref<8x5120xf32, #tpu.memory_space<vmem>>, vector<1x256xf32>
      %get3A_190 = arith.constant 4 : index
      %get3A_191 = arith.index_cast %mul3A_177 : i32 to index
      %get3A_192 = vector.load %arg6[%get3A_190, %get3A_191] : memref<8x5120xf32, #tpu.memory_space<vmem>>, vector<1x256xf32>
      %mul3A_193 = vector.broadcast %get3A_180 : vector<1x256xf32> to vector<256x256xf32>
      %mul3A_194 = arith.mulf %select_n3A, %mul3A_193 : vector<256x256xf32>
      %reduce_sum3A_195 = arith.constant dense<0.000000e+00> : vector<256xf32>
      %reduce_sum3A_196 = vector.multi_reduction <add>, %mul3A_194, %reduce_sum3A_195 [1] : vector<256x256xf32> to vector<256xf32>
      %broadcast_in_dim3A_197 = vector.shape_cast %reduce_sum3A_196 : vector<256xf32> to vector<256x1xf32>
      %mul3A_198 = vector.broadcast %get3A_183 : vector<1x256xf32> to vector<256x256xf32>
      %mul3A_199 = arith.mulf %select_n3A, %mul3A_198 : vector<256x256xf32>
      %reduce_sum3A_200 = arith.constant dense<0.000000e+00> : vector<256xf32>
      %reduce_sum3A_201 = vector.multi_reduction <add>, %mul3A_199, %reduce_sum3A_200 [1] : vector<256x256xf32> to vector<256xf32>
      %broadcast_in_dim3A_202 = vector.shape_cast %reduce_sum3A_201 : vector<256xf32> to vector<256x1xf32>
      %mul3A_203 = vector.broadcast %get3A_186 : vector<1x256xf32> to vector<256x256xf32>
      %mul3A_204 = arith.mulf %select_n3A, %mul3A_203 : vector<256x256xf32>
      %reduce_sum3A_205 = arith.constant dense<0.000000e+00> : vector<256xf32>
      %reduce_sum3A_206 = vector.multi_reduction <add>, %mul3A_204, %reduce_sum3A_205 [1] : vector<256x256xf32> to vector<256xf32>
      %broadcast_in_dim3A_207 = vector.shape_cast %reduce_sum3A_206 : vector<256xf32> to vector<256x1xf32>
      %mul3A_208 = vector.broadcast %get3A_189 : vector<1x256xf32> to vector<256x256xf32>
      %mul3A_209 = arith.mulf %select_n3A, %mul3A_208 : vector<256x256xf32>
      %reduce_sum3A_210 = arith.constant dense<0.000000e+00> : vector<256xf32>
      %reduce_sum3A_211 = vector.multi_reduction <add>, %mul3A_209, %reduce_sum3A_210 [1] : vector<256x256xf32> to vector<256xf32>
      %broadcast_in_dim3A_212 = vector.shape_cast %reduce_sum3A_211 : vector<256xf32> to vector<256x1xf32>
      %mul3A_213 = vector.broadcast %get3A_192 : vector<1x256xf32> to vector<256x256xf32>
      %mul3A_214 = arith.mulf %select_n3A, %mul3A_213 : vector<256x256xf32>
      %reduce_sum3A_215 = arith.constant dense<0.000000e+00> : vector<256xf32>
      %reduce_sum3A_216 = vector.multi_reduction <add>, %mul3A_214, %reduce_sum3A_215 [1] : vector<256x256xf32> to vector<256xf32>
      %broadcast_in_dim3A_217 = vector.shape_cast %reduce_sum3A_216 : vector<256xf32> to vector<256x1xf32>
      %max3A_218 = vector.broadcast %broadcast_in_dim3A_197 : vector<256x1xf32> to vector<256x5120xf32>
      %max3A_219 = vector.broadcast %add3A_81 : vector<1x5120xf32> to vector<256x5120xf32>
      %max3A_220 = arith.maximumf %max3A_218, %max3A_219 : vector<256x5120xf32>
      %max3A_221 = vector.broadcast %broadcast_in_dim3A_202 : vector<256x1xf32> to vector<256x5120xf32>
      %max3A_222 = vector.broadcast %add3A_82 : vector<1x5120xf32> to vector<256x5120xf32>
      %max3A_223 = arith.maximumf %max3A_221, %max3A_222 : vector<256x5120xf32>
      %min3A_224 = vector.broadcast %broadcast_in_dim3A_207 : vector<256x1xf32> to vector<256x5120xf32>
      %min3A_225 = vector.broadcast %add3A_83 : vector<1x5120xf32> to vector<256x5120xf32>
      %min3A_226 = arith.minimumf %min3A_224, %min3A_225 : vector<256x5120xf32>
      %min3A_227 = vector.broadcast %broadcast_in_dim3A_212 : vector<256x1xf32> to vector<256x5120xf32>
      %min3A_228 = vector.broadcast %add3A_84 : vector<1x5120xf32> to vector<256x5120xf32>
      %min3A_229 = arith.minimumf %min3A_227, %min3A_228 : vector<256x5120xf32>
      %sub3A_230 = arith.subf %min3A_226, %max3A_220 : vector<256x5120xf32>
      %max3A_231 = arith.constant 0.000000e+00 : f32
      %max3A_232 = vector.broadcast %max3A_231 : f32 to vector<256x5120xf32>
      %max3A_233 = arith.maximumf %sub3A_230, %max3A_232 : vector<256x5120xf32>
      %sub3A_234 = arith.subf %min3A_229, %max3A_223 : vector<256x5120xf32>
      %max3A_235 = arith.constant 0.000000e+00 : f32
      %max3A_236 = vector.broadcast %max3A_235 : f32 to vector<256x5120xf32>
      %max3A_237 = arith.maximumf %sub3A_234, %max3A_236 : vector<256x5120xf32>
      %mul3A_238 = arith.mulf %max3A_233, %max3A_237 : vector<256x5120xf32>
      %add3A_239 = vector.broadcast %broadcast_in_dim3A_217 : vector<256x1xf32> to vector<256x5120xf32>
      %add3A_240 = vector.broadcast %mul3A_86 : vector<1x5120xf32> to vector<256x5120xf32>
      %add3A_241 = arith.addf %add3A_239, %add3A_240 : vector<256x5120xf32>
      %sub3A_242 = arith.subf %add3A_241, %mul3A_238 : vector<256x5120xf32>
      %add3A_243 = arith.constant 9.99999971E-10 : f32
      %add3A_244 = vector.broadcast %add3A_243 : f32 to vector<256x5120xf32>
      %add3A_245 = arith.addf %sub3A_242, %add3A_244 : vector<256x5120xf32>
      %div3A = arith.divf %mul3A_238, %add3A_245 : vector<256x5120xf32>
      %gt3A = arith.constant 5.000000e-01 : f32
      %gt3A_246 = vector.broadcast %gt3A : f32 to vector<256x5120xf32>
      %gt3A_247 = arith.cmpf ogt, %div3A, %gt3A_246 : vector<256x5120xf32>
      %jit3A_248 = arith.constant 1.000000e+00 : f32
      %jit3A_249 = arith.constant 0.000000e+00 : f32
      %broadcast_in_dim3A_250 = vector.broadcast %jit3A_248 : f32 to vector<256x5120xf32>
      %broadcast_in_dim3A_251 = vector.broadcast %jit3A_249 : f32 to vector<256x5120xf32>
      %select_n3A_252 = arith.select %gt3A_247, %broadcast_in_dim3A_250, %broadcast_in_dim3A_251 : vector<256x5120xi1>, vector<256x5120xf32>
      %get3A_253 = arith.constant 7 : index
      %get3A_254 = arith.constant 0 : index
      %get3A_255 = vector.load %arg5[%get3A_253, %get3A_254] : memref<8x5120xf32, #tpu.memory_space<vmem>>, vector<1x5120xf32>
      %lt3A_256 = vector.broadcast %mul3A_177 : i32 to vector<1x5120xi32>
      %lt3A_257 = arith.cmpi slt, %iota3A, %lt3A_256 : vector<1x5120xi32>
      %jit3A_258 = arith.constant 0.000000e+00 : f32
      %broadcast_in_dim3A_259 = vector.broadcast %jit3A_258 : f32 to vector<1x5120xf32>
      %select_n3A_260 = arith.select %lt3A_257, %get3A_255, %broadcast_in_dim3A_259 : vector<1x5120xi1>, vector<1x5120xf32>
      %mul3A_261 = vector.broadcast %select_n3A_260 : vector<1x5120xf32> to vector<256x5120xf32>
      %mul3A_262 = arith.mulf %select_n3A_252, %mul3A_261 : vector<256x5120xf32>
      %reduce_sum3A_263 = arith.constant dense<0.000000e+00> : vector<256xf32>
      %reduce_sum3A_264 = vector.multi_reduction <add>, %mul3A_262, %reduce_sum3A_263 [1] : vector<256x5120xf32> to vector<256xf32>
      %broadcast_in_dim3A_265 = vector.shape_cast %reduce_sum3A_264 : vector<256xf32> to vector<256x1xf32>
      %min3A_266 = arith.constant 1.000000e+00 : f32
      %min3A_267 = vector.broadcast %min3A_266 : f32 to vector<256x1xf32>
      %min3A_268 = arith.minimumf %broadcast_in_dim3A_265, %min3A_267 : vector<256x1xf32>
      %sub3A_269 = arith.constant 1.000000e+00 : f32
      %sub3A_270 = vector.broadcast %sub3A_269 : f32 to vector<256x1xf32>
      %sub3A_271 = arith.subf %sub3A_270, %min3A_268 : vector<256x1xf32>
      %lt3A_272 = arith.cmpi slt, %iota3A_0, %iota3A_1 : vector<256x256xi32>
      %jit3A_273 = arith.constant 1.000000e+00 : f32
      %jit3A_274 = arith.constant 0.000000e+00 : f32
      %broadcast_in_dim3A_275 = vector.broadcast %jit3A_273 : f32 to vector<256x256xf32>
      %broadcast_in_dim3A_276 = vector.broadcast %jit3A_274 : f32 to vector<256x256xf32>
      %select_n3A_277 = arith.select %lt3A_272, %broadcast_in_dim3A_275, %broadcast_in_dim3A_276 : vector<256x256xi1>, vector<256x256xf32>
      %max3A_278 = vector.broadcast %broadcast_in_dim3A_197 : vector<256x1xf32> to vector<256x256xf32>
      %max3A_279 = vector.broadcast %get3A_180 : vector<1x256xf32> to vector<256x256xf32>
      %max3A_280 = arith.maximumf %max3A_278, %max3A_279 : vector<256x256xf32>
      %max3A_281 = vector.broadcast %broadcast_in_dim3A_202 : vector<256x1xf32> to vector<256x256xf32>
      %max3A_282 = vector.broadcast %get3A_183 : vector<1x256xf32> to vector<256x256xf32>
      %max3A_283 = arith.maximumf %max3A_281, %max3A_282 : vector<256x256xf32>
      %min3A_284 = vector.broadcast %broadcast_in_dim3A_207 : vector<256x1xf32> to vector<256x256xf32>
      %min3A_285 = vector.broadcast %get3A_186 : vector<1x256xf32> to vector<256x256xf32>
      %min3A_286 = arith.minimumf %min3A_284, %min3A_285 : vector<256x256xf32>
      %min3A_287 = vector.broadcast %broadcast_in_dim3A_212 : vector<256x1xf32> to vector<256x256xf32>
      %min3A_288 = vector.broadcast %get3A_189 : vector<1x256xf32> to vector<256x256xf32>
      %min3A_289 = arith.minimumf %min3A_287, %min3A_288 : vector<256x256xf32>
      %sub3A_290 = arith.subf %min3A_286, %max3A_280 : vector<256x256xf32>
      %max3A_291 = arith.constant 0.000000e+00 : f32
      %max3A_292 = vector.broadcast %max3A_291 : f32 to vector<256x256xf32>
      %max3A_293 = arith.maximumf %sub3A_290, %max3A_292 : vector<256x256xf32>
      %sub3A_294 = arith.subf %min3A_289, %max3A_283 : vector<256x256xf32>
      %max3A_295 = arith.constant 0.000000e+00 : f32
      %max3A_296 = vector.broadcast %max3A_295 : f32 to vector<256x256xf32>
      %max3A_297 = arith.maximumf %sub3A_294, %max3A_296 : vector<256x256xf32>
      %mul3A_298 = arith.mulf %max3A_293, %max3A_297 : vector<256x256xf32>
      %add3A_299 = vector.broadcast %broadcast_in_dim3A_217 : vector<256x1xf32> to vector<256x256xf32>
      %add3A_300 = vector.broadcast %get3A_192 : vector<1x256xf32> to vector<256x256xf32>
      %add3A_301 = arith.addf %add3A_299, %add3A_300 : vector<256x256xf32>
      %sub3A_302 = arith.subf %add3A_301, %mul3A_298 : vector<256x256xf32>
      %add3A_303 = arith.constant 9.99999971E-10 : f32
      %add3A_304 = vector.broadcast %add3A_303 : f32 to vector<256x256xf32>
      %add3A_305 = arith.addf %sub3A_302, %add3A_304 : vector<256x256xf32>
      %div3A_306 = arith.divf %mul3A_298, %add3A_305 : vector<256x256xf32>
      %gt3A_307 = arith.constant 5.000000e-01 : f32
      %gt3A_308 = vector.broadcast %gt3A_307 : f32 to vector<256x256xf32>
      %gt3A_309 = arith.cmpf ogt, %div3A_306, %gt3A_308 : vector<256x256xf32>
      %jit3A_310 = arith.constant 1.000000e+00 : f32
      %jit3A_311 = arith.constant 0.000000e+00 : f32
      %broadcast_in_dim3A_312 = vector.broadcast %jit3A_310 : f32 to vector<256x256xf32>
      %broadcast_in_dim3A_313 = vector.broadcast %jit3A_311 : f32 to vector<256x256xf32>
      %select_n3A_314 = arith.select %gt3A_309, %broadcast_in_dim3A_312, %broadcast_in_dim3A_313 : vector<256x256xi1>, vector<256x256xf32>
      %mul3A_315 = arith.mulf %select_n3A_314, %select_n3A_277 : vector<256x256xf32>
      %while3A = arith.constant 1.000000e+00 : f32
      %while3A_316:2 = scf.while (%while3A_325 = %sub3A_271, %while3A_326 = %while3A) : (vector<256x1xf32>, f32) -> (vector<256x1xf32>, f32) {
        %gt3A_327 = arith.constant 5.000000e-01 : f32
        %gt3A_328 = arith.cmpf ogt, %while3A_326, %gt3A_327 : f32
        scf.condition(%gt3A_328) %while3A_325, %while3A_326 : vector<256x1xf32>, f32
      } do {
      ^bb0(%while3A_325: vector<256x1xf32>, %while3A_326: f32):
        %mul3A_327 = vector.broadcast %while3A_325 : vector<256x1xf32> to vector<256x256xf32>
        %mul3A_328 = arith.mulf %mul3A_315, %mul3A_327 : vector<256x256xf32>
        %reduce_sum3A_329 = arith.constant dense<0.000000e+00> : vector<256xf32>
        %reduce_sum3A_330 = vector.multi_reduction <add>, %mul3A_328, %reduce_sum3A_329 [0] : vector<256x256xf32> to vector<256xf32>
        %broadcast_in_dim3A_331 = vector.shape_cast %reduce_sum3A_330 : vector<256xf32> to vector<1x256xf32>
        %min3A_332 = arith.constant 1.000000e+00 : f32
        %min3A_333 = vector.broadcast %min3A_332 : f32 to vector<1x256xf32>
        %min3A_334 = arith.minimumf %broadcast_in_dim3A_331, %min3A_333 : vector<1x256xf32>
        %mul3A_335 = vector.broadcast %min3A_334 : vector<1x256xf32> to vector<256x256xf32>
        %mul3A_336 = arith.mulf %select_n3A, %mul3A_335 : vector<256x256xf32>
        %reduce_sum3A_337 = arith.constant dense<0.000000e+00> : vector<256xf32>
        %reduce_sum3A_338 = vector.multi_reduction <add>, %mul3A_336, %reduce_sum3A_337 [1] : vector<256x256xf32> to vector<256xf32>
        %broadcast_in_dim3A_339 = vector.shape_cast %reduce_sum3A_338 : vector<256xf32> to vector<256x1xf32>
        %min3A_340 = arith.constant 1.000000e+00 : f32
        %min3A_341 = vector.broadcast %min3A_340 : f32 to vector<256x1xf32>
        %min3A_342 = arith.minimumf %broadcast_in_dim3A_339, %min3A_341 : vector<256x1xf32>
        %sub3A_343 = arith.constant 1.000000e+00 : f32
        %sub3A_344 = vector.broadcast %sub3A_343 : f32 to vector<256x1xf32>
        %sub3A_345 = arith.subf %sub3A_344, %min3A_342 : vector<256x1xf32>
        %mul3A_346 = arith.mulf %sub3A_271, %sub3A_345 : vector<256x1xf32>
        %sub3A_347 = arith.subf %mul3A_346, %while3A_325 : vector<256x1xf32>
        %abs3A = math.absf %sub3A_347 : vector<256x1xf32>
        %reduce_sum3A_348 = vector.shape_cast %abs3A : vector<256x1xf32> to vector<1x256x1xf32>
        %reduce_sum3A_349 = arith.constant dense<0.000000e+00> : vector<1xf32>
        %reduce_sum3A_350 = vector.multi_reduction <add>, %reduce_sum3A_348, %reduce_sum3A_349 [1, 2] : vector<1x256x1xf32> to vector<1xf32>
        %reduce_sum3A_351 = vector.shape_cast %reduce_sum3A_350 : vector<1xf32> to vector<1x1x1xf32>
        %reduce_sum3A_352 = vector.extract %reduce_sum3A_351[0, 0, 0] : f32 from vector<1x1x1xf32>
        scf.yield %mul3A_346, %reduce_sum3A_352 : vector<256x1xf32>, f32
      }
      %mul3A_317 = vector.broadcast %while3A_316#0 : vector<256x1xf32> to vector<256x256xf32>
      %mul3A_318 = arith.mulf %select_n3A, %mul3A_317 : vector<256x256xf32>
      %reduce_sum3A_319 = arith.constant dense<0.000000e+00> : vector<256xf32>
      %reduce_sum3A_320 = vector.multi_reduction <add>, %mul3A_318, %reduce_sum3A_319 [0] : vector<256x256xf32> to vector<256xf32>
      %broadcast_in_dim3A_321 = vector.shape_cast %reduce_sum3A_320 : vector<256xf32> to vector<1x256xf32>
      %swap3A_322 = arith.constant 7 : index
      %swap3A_323 = arith.index_cast %mul3A_177 : i32 to index
      %swap3A_324 = vector.load %arg5[%swap3A_322, %swap3A_323] : memref<8x5120xf32, #tpu.memory_space<vmem>>, vector<1x256xf32>
      tpu.vector_store %arg5[%swap3A_322, %swap3A_323], %broadcast_in_dim3A_321 {strides = array<i32>} : memref<8x5120xf32, #tpu.memory_space<vmem>>, vector<1x256xf32>,
    }
    %scan3A_111 = arith.constant 20 : i32
    %get3A_112 = arith.constant 7 : index
    %get3A_113 = arith.constant 0 : index
    %get3A_114 = vector.load %arg5[%get3A_112, %get3A_113] : memref<8x5120xf32, #tpu.memory_space<vmem>>, vector<1x5120xf32>
    %jit3A_115 = arith.constant 0.000000e+00 : f32
    %broadcast_in_dim3A_116 = vector.broadcast %jit3A_115 : f32 to vector<1x5120xf32>
    %select_n3A_117 = arith.select %lt3A_5, %get3A_114, %broadcast_in_dim3A_116 : vector<1x5120xi1>, vector<1x5120xf32>
    %broadcast_in_dim3A_118 = arith.constant 0.000000e+00 : f32
    %broadcast_in_dim3A_119 = vector.broadcast %broadcast_in_dim3A_118 : f32 to vector<1x5120xf32>
    %jit3A_120 = arith.constant 0.000000e+00 : f32
    %jit3A_121 = arith.constant 6.400000e+02 : f32
    %max3A_122 = vector.broadcast %jit3A_120 : f32 to vector<1x5120xf32>
    %max3A_123 = arith.maximumf %max3A_122, %get3A_54 : vector<1x5120xf32>
    %min3A = vector.broadcast %jit3A_121 : f32 to vector<1x5120xf32>
    %min3A_124 = arith.minimumf %min3A, %max3A_123 : vector<1x5120xf32>
    %mul3A_125 = arith.mulf %min3A_124, %select_n3A_117 : vector<1x5120xf32>
    %swap3A_126 = arith.constant 0 : index
    %swap3A_127 = arith.constant 0 : index
    %swap3A_128 = vector.load %arg3[%swap3A_126, %swap3A_127] : memref<8x5120xf32, #tpu.memory_space<vmem>>, vector<1x5120xf32>
    tpu.vector_store %arg3[%swap3A_126, %swap3A_127], %mul3A_125 {strides = array<i32>} : memref<8x5120xf32, #tpu.memory_space<vmem>>, vector<1x5120xf32>,
    %jit3A_129 = arith.constant 0.000000e+00 : f32
    %jit3A_130 = arith.constant 6.400000e+02 : f32
    %max3A_131 = vector.broadcast %jit3A_129 : f32 to vector<1x5120xf32>
    %max3A_132 = arith.maximumf %max3A_131, %get3A_57 : vector<1x5120xf32>
    %min3A_133 = vector.broadcast %jit3A_130 : f32 to vector<1x5120xf32>
    %min3A_134 = arith.minimumf %min3A_133, %max3A_132 : vector<1x5120xf32>
    %mul3A_135 = arith.mulf %min3A_134, %select_n3A_117 : vector<1x5120xf32>
    %swap3A_136 = arith.constant 1 : index
    %swap3A_137 = arith.constant 0 : index
    %swap3A_138 = vector.load %arg3[%swap3A_136, %swap3A_137] : memref<8x5120xf32, #tpu.memory_space<vmem>>, vector<1x5120xf32>
    tpu.vector_store %arg3[%swap3A_136, %swap3A_137], %mul3A_135 {strides = array<i32>} : memref<8x5120xf32, #tpu.memory_space<vmem>>, vector<1x5120xf32>,
    %jit3A_139 = arith.constant 0.000000e+00 : f32
    %jit3A_140 = arith.constant 6.400000e+02 : f32
    %max3A_141 = vector.broadcast %jit3A_139 : f32 to vector<1x5120xf32>
    %max3A_142 = arith.maximumf %max3A_141, %get3A_60 : vector<1x5120xf32>
    %min3A_143 = vector.broadcast %jit3A_140 : f32 to vector<1x5120xf32>
    %min3A_144 = arith.minimumf %min3A_143, %max3A_142 : vector<1x5120xf32>
    %mul3A_145 = arith.mulf %min3A_144, %select_n3A_117 : vector<1x5120xf32>
    %swap3A_146 = arith.constant 2 : index
    %swap3A_147 = arith.constant 0 : index
    %swap3A_148 = vector.load %arg3[%swap3A_146, %swap3A_147] : memref<8x5120xf32, #tpu.memory_space<vmem>>, vector<1x5120xf32>
    tpu.vector_store %arg3[%swap3A_146, %swap3A_147], %mul3A_145 {strides = array<i32>} : memref<8x5120xf32, #tpu.memory_space<vmem>>, vector<1x5120xf32>,
    %jit3A_149 = arith.constant 0.000000e+00 : f32
    %jit3A_150 = arith.constant 6.400000e+02 : f32
    %max3A_151 = vector.broadcast %jit3A_149 : f32 to vector<1x5120xf32>
    %max3A_152 = arith.maximumf %max3A_151, %get3A_63 : vector<1x5120xf32>
    %min3A_153 = vector.broadcast %jit3A_150 : f32 to vector<1x5120xf32>
    %min3A_154 = arith.minimumf %min3A_153, %max3A_152 : vector<1x5120xf32>
    %mul3A_155 = arith.mulf %min3A_154, %select_n3A_117 : vector<1x5120xf32>
    %swap3A_156 = arith.constant 3 : index
    %swap3A_157 = arith.constant 0 : index
    %swap3A_158 = vector.load %arg3[%swap3A_156, %swap3A_157] : memref<8x5120xf32, #tpu.memory_space<vmem>>, vector<1x5120xf32>
    tpu.vector_store %arg3[%swap3A_156, %swap3A_157], %mul3A_155 {strides = array<i32>} : memref<8x5120xf32, #tpu.memory_space<vmem>>, vector<1x5120xf32>,
    %mul3A_159 = arith.mulf %get3A_69, %select_n3A_117 : vector<1x5120xf32>
    %swap3A_160 = arith.constant 4 : index
    %swap3A_161 = arith.constant 0 : index
    %swap3A_162 = vector.load %arg3[%swap3A_160, %swap3A_161] : memref<8x5120xf32, #tpu.memory_space<vmem>>, vector<1x5120xf32>
    tpu.vector_store %arg3[%swap3A_160, %swap3A_161], %mul3A_159 {strides = array<i32>} : memref<8x5120xf32, #tpu.memory_space<vmem>>, vector<1x5120xf32>,
    %swap3A_163 = arith.constant 5 : index
    %swap3A_164 = arith.constant 0 : index
    %swap3A_165 = vector.load %arg3[%swap3A_163, %swap3A_164] : memref<8x5120xf32, #tpu.memory_space<vmem>>, vector<1x5120xf32>
    tpu.vector_store %arg3[%swap3A_163, %swap3A_164], %broadcast_in_dim3A_119 {strides = array<i32>} : memref<8x5120xf32, #tpu.memory_space<vmem>>, vector<1x5120xf32>,
    %swap3A_166 = arith.constant 6 : index
    %swap3A_167 = arith.constant 0 : index
    %swap3A_168 = vector.load %arg3[%swap3A_166, %swap3A_167] : memref<8x5120xf32, #tpu.memory_space<vmem>>, vector<1x5120xf32>
    tpu.vector_store %arg3[%swap3A_166, %swap3A_167], %broadcast_in_dim3A_119 {strides = array<i32>} : memref<8x5120xf32, #tpu.memory_space<vmem>>, vector<1x5120xf32>,
    %swap3A_169 = arith.constant 7 : index
    %swap3A_170 = arith.constant 0 : index
    %swap3A_171 = vector.load %arg3[%swap3A_169, %swap3A_170] : memref<8x5120xf32, #tpu.memory_space<vmem>>, vector<1x5120xf32>
    tpu.vector_store %arg3[%swap3A_169, %swap3A_170], %broadcast_in_dim3A_119 {strides = array<i32>} : memref<8x5120xf32, #tpu.memory_space<vmem>>, vector<1x5120xf32>,
    %swap3A_172 = arith.constant 0 : index
    %swap3A_173 = arith.constant 0 : index
    %swap3A_174 = vector.load %arg4[%swap3A_172, %swap3A_173] : memref<1x5120xf32, #tpu.memory_space<vmem>>, vector<1x5120xf32>
    tpu.vector_store %arg4[%swap3A_172, %swap3A_173], %get3A_66 {strides = array<i32>} : memref<1x5120xf32, #tpu.memory_space<vmem>>, vector<1x5120xf32>,
    return
  }
}

</mosaic_0001>

<sc_bundles>
// kernel: _pipeline.5.cloned.1.call-start
scs
__scs_entry_jumppad:
0x0: {  	(pc) =	sbr.rel $0x88, $3  }
0x1: {  	(tag) =	ssettag $0x0;
	lr =	simm.s32 $0x1  }
0x2: {  	[smem:$0x3F9F] =	sst lr;
	_ =	strace $0xD0000000  }
0x3: {  	_ = 	snop  }
0x4: {  	_ = 	snop  }
0x5: {  	_ = 	snop  }
0x6: {  	_ = 	snop  }
0x7: {  	_ = 	snop  }
__scs_overlays_trampoline_lowered:
0x8: {  	[smem:$0x3FAE] =	sst s0  }
0x9: {  	[smem:$0x3FAF] =	sst s1  }
0xa: {  	[smem:$0x3FB0] =	sst s2  }
0xb: {  	[smem:$0x3FB1] =	sst s3  }
0xc: {  	[smem:$0x3FB2] =	sst s4  }
0xd: {  	[smem:$0x3FB3] =	sst s5  }
0xe: {  	[smem:$0x3FB4] =	sst s6  }
0xf: {  	[smem:$0x3FB5] =	sst s7  }
0x10: {  	[smem:$0x3FB6] =	sst s8  }
0x11: {  	[smem:$0x3FB7] =	sst s9;
	s0 =	simm.s32 @!p0 $0x0  }
0x12: {  	s1 =	sld [smem:$0x3F9D];
	s0 =	simm.s32 @p0 $0x1  }
0x13: {  	[smem:$0x3FB8] =	sst s0;
	s0 =	simm.s32 @!p1 $0x0  }
0x14: {  	s2 =	sld [smem:$0x3F9C];
	s0 =	simm.s32 @p1 $0x1  }
0x15: {  	[smem:$0x3FB9] =	sst s0;
	s0 =	simm.s32 @!p2 $0x0  }
0x16: {  	s3 =	sld [smem:$0x3FDB];
	s0 =	simm.s32 @p2 $0x1  }
0x17: {  	s4 =	simm.s32 $0x1BF5;
	[smem:$0x3FBB] =	sst s0  }
0x18: {  	s0 =	sld [smem:$0x3F9E];
	_ =	swait.ge [sflag:s4], $0x0  }
0x19: {  	s7 =	sld [smem:$0x3F9F]  }
0x1a: {  	s8 =	sadd.s32 $0xFFFFE003, lr  }
0x1b: {  	s9 =	sadd.s32 $0xFFFFFEF7, lr;
	s5 =	simm.s32 $0xFFFFFFFF;
	p2 =	slt.u32 s8, $0xFFFFF086  }
0x1c: {  	p1 =	slt.u32 s9, $0xF7A;
	s5 =	simm.s32 @!p2 $0x0  }
0x1d: {  	s5 =	simm.s32 @p1 $0x1;
	p0 =	seq.s32 s7, s2  }
0x1e: {  	s7 =	smul.u32 @!p0 $0xF7A, s2;
	p2 =	seq.s32 @!p0 s5, $0x0  }
0x1f: {  	s9 =	smul.u32 $0xF7A, s1;
	s8 =	simm.s32 @!p0 $0x1BF5;
	p2 =	por !p2, p0  }
0x20: {  	[sflag:s8] =	ssyncset.s32 @!p0 $0xFFFFF086;
	s6 =	sadd.s32 @!p0 s3, s7;
	s7 =	simm.s32 @!p0 $0x108  }
0x21: {  	s3 =	sadd.s32 s3, s9;
	s6 =	sadd.s32 @!p0 $0x88, s6;
	s7 =	simm.s32 @p2 $0x1082  }
0x22: {  	[simem:s7], [sflag:s8] =	dma.local @!p0 [hbm:s6], $0xF7A  }
0x23: {  	s9 =	sor.u32 $0xD0000000, s2;
	s6 =	simm.s32 $0x108;
	_ =	swait.ge @!p0 [sflag:s8], $0x0  }
0x24: {  	s3 =	sadd.s32 $0x88, s3;
	s6 =	simm.s32 @!p1 $0x1082;
	[sflag:s4] =	ssyncset.s32 $0xFFFFF086  }
0x25: {  	[simem:s6], [sflag:s4] =	dma.local [hbm:s3], $0xF7A  }
0x26: {  	[smem:$0x3F9F] =	sst s1;
	(tag) =	ssettag s2;
	_ =	strace s9  }
0x27: {  	s1 =	sld [smem:$0x3FAF]  }
0x28: {  	s2 =	sld [smem:$0x3FB0]  }
0x29: {  	s4 =	sld [smem:$0x3FB2]  }
0x2a: {  	p0 =	seq.s32 s5, $0x0;
	s5 =	sld [smem:$0x3FB3]  }
0x2b: {  	s6 =	sld [smem:$0x3FB4]  }
0x2c: {  	s7 =	sld [smem:$0x3FB5]  }
0x2d: {  	s3 =	simm.s32 $0x108;
	s8 =	sld [smem:$0x3FB6]  }
0x2e: {  	s3 =	simm.s32 @!p0 $0x1082;
	s9 =	sld [smem:$0x3FB7]  }
0x2f: {  	lr =	sadd.s32 s0, s3;
	s0 =	sld [smem:$0x3FAE]  }
0x30: {  	s3 =	sld [smem:$0x3FB1]  }
0x31: {  	[smem:$0x3FBA] =	sst s10  }
0x32: {  	s10 =	sld [smem:$0x3FB8];
	_ =	sdelay $0x3  }
0x33: {  	p0 =	seq.s32 s10, $0x1;
	s10 =	sld [smem:$0x3FBA];
	_ =	sdelay $0x3  }
0x34: {  	[smem:$0x3FBA] =	sst s10  }
0x35: {  	s10 =	sld [smem:$0x3FB9];
	_ =	sdelay $0x3  }
0x36: {  	p1 =	seq.s32 s10, $0x1;
	s10 =	sld [smem:$0x3FBA];
	_ =	sdelay $0x3  }
0x37: {  	[smem:$0x3FBA] =	sst s10  }
0x38: {  	s10 =	sld [smem:$0x3FBB]  }
0x39: {  	_ = 	snop;
	(pc) =	sbr.ind lr, $3  }
0x3a: {  	_ = 	snop  }
0x3b: {  	_ = 	snop  }
0x3c: {  	p2 =	seq.s32 s10, $0x1;
	s10 =	sld [smem:$0x3FBA]  }
0x3d: {  	_ =	shalt  }
0x3e: {  	_ =	shalt  }
0x3f: {  	_ =	shalt  }
0x40: {  	_ =	shalt  }
0x41: {  	_ =	shalt  }
0x42: {  	_ =	shalt  }
0x43: {  	_ =	shalt  }
0x44: {  	_ =	shalt  }
0x45: {  	_ =	shalt  }
0x46: {  	_ =	shalt  }
0x47: {  	_ =	shalt  }
0x48: {  	_ =	shalt  }
0x49: {  	_ =	shalt  }
0x4a: {  	_ =	shalt  }
0x4b: {  	_ =	shalt  }
0x4c: {  	_ =	shalt  }
0x4d: {  	_ =	shalt  }
0x4e: {  	_ =	shalt  }
0x4f: {  	_ =	shalt  }
0x50: {  	_ =	shalt  }
0x51: {  	_ =	shalt  }
0x52: {  	_ =	shalt  }
0x53: {  	_ =	shalt  }
0x54: {  	_ =	shalt  }
0x55: {  	_ =	shalt  }
0x56: {  	_ =	shalt  }
0x57: {  	_ =	shalt  }
0x58: {  	_ =	shalt  }
0x59: {  	_ =	shalt  }
0x5a: {  	_ =	shalt  }
0x5b: {  	_ =	shalt  }
0x5c: {  	_ =	shalt  }
0x5d: {  	_ =	shalt  }
0x5e: {  	_ =	shalt  }
0x5f: {  	_ =	shalt  }
0x60: {  	_ =	shalt  }
0x61: {  	_ =	shalt  }
0x62: {  	_ =	shalt  }
0x63: {  	_ =	shalt  }
0x64: {  	_ =	shalt  }
0x65: {  	_ =	shalt  }
0x66: {  	_ =	shalt  }
0x67: {  	_ =	shalt  }
0x68: {  	_ =	shalt  }
0x69: {  	_ =	shalt  }
0x6a: {  	_ =	shalt  }
0x6b: {  	_ =	shalt  }
0x6c: {  	_ =	shalt  }
0x6d: {  	_ =	shalt  }
0x6e: {  	_ =	shalt  }
0x6f: {  	_ =	shalt  }
0x70: {  	_ =	shalt  }
0x71: {  	_ =	shalt  }
0x72: {  	_ =	shalt  }
0x73: {  	_ =	shalt  }
0x74: {  	_ =	shalt  }
0x75: {  	_ =	shalt  }
0x76: {  	_ =	shalt  }
0x77: {  	_ =	shalt  }
0x78: {  	_ =	shalt  }
0x79: {  	_ =	shalt  }
0x7a: {  	_ =	shalt  }
0x7b: {  	_ =	shalt  }
0x7c: {  	_ =	shalt  }
0x7d: {  	_ =	shalt  }
0x7e: {  	_ =	shalt  }
0x7f: {  	_ =	shalt  }
0x80: {  	_ =	shalt  }
0x81: {  	_ =	shalt  }
0x82: {  	_ =	shalt  }
0x83: {  	_ =	shalt  }
0x84: {  	_ =	shalt  }
0x85: {  	_ =	shalt  }
0x86: {  	_ =	shalt  }
0x87: {  	_ =	shalt  }
.Lfunc_end0:
.L_simem_size_0:
called_computation_lowered:
.L_overlay_start_0:
0x88: {  	s2 =	sld [smem:$0x3FD9]  }
0x89: {  	s3 =	sld [smem:$0x3FFE];
	_ =	sdelay $0x1  }
0x8a: {  	s1 =	srdreg.scid  }
0x8b: {  	s0 =	sand.u32 $0x1, s1  }
0x8c: {  	s16 =	sshll.u32 s0, $0xA;
	s2 =	sadd.s32 s3, s2  }
0x8d: {  	s2 =	sadd.s32 s2, s16  }
0x8e: {  	[smem:$0x3FC6] =	sst s2  }
0x8f: {  	_ = 	snop  }
0x90: {  	(tm) =	ssettm $0x1  }
0x91: {  	s17 =	sld [smem:$0x3FFB];
	_ =	sdelay $0x3  }
0x92: {  	_ =	strace s17  }
0x93: {  	s2 =	sld [smem:$0x3FFC];
	_ =	sdelay $0x3  }
0x94: {  	_ =	strace s2  }
0x95: {  	s2 =	sld [smem:$0x3FFD];
	_ =	sdelay $0x3  }
0x96: {  	_ =	strace s2  }
0x97: {  	_ =	strace $0x8FFFFFFF  }
0x98: {  	s18 =	sld [smem:$0x3FDB];
	_ =	sdelay $0x1  }
0x99: {  	s19 =	simm.s32 $_scs_section_size  }
0x9a: {  	s4 =	simm.s32 $_size__tile_overlayer_lowered;
	s5 =	simm.s32 $_tile_overlayer_lowered  }
0x9b: {  	s22 =	simm.s32 $0x1BFF;
	s21 =	sshll.u32 s5, $0x1;
	s2 =	sadd.s32 s19, s18  }
0x9c: {  	s6 =	simm.s32 $0x0;
	s20 =	sshll.u32 s4, $0x1;
	s4 =	sadd.s32 s21, s2  }
0x9d: {  	[timem:s6], [sflag:s22] =	dma.local [hbm:s4], s20  }
0x9e: {  	_ =	swait.ge [sflag:s22], s20  }
0x9f: {  	s3 =	ssub.s32 $0x0, s20;
	[sflag:s22] =	ssyncset.done $0x0  }
0xa0: {  	[sflag:s22] =	ssyncadd.s32 s3;
	_ =	sdelay $0x1  }
0xa1: {  	s23 =	simm.s32 $0x1B8B  }
0xa2: {  	_ =	swait.ge [sflag:s23], $0x1  }
0xa3: {  	[sflag:s23] =	ssyncset.done $0x0  }
0xa4: {  	s25 =	simm.s32 $0x1B8E;
	s24 =	sld [smem:$0x3FFE];
	[sflag:s23] =	ssyncadd.s32 $0xFFFFFFFF  }
0xa5: {  	s26 =	simm.s32 $execute0_lowered;
	[smem:$0x3FD2] =	sst s25  }
0xa6: {  	s4 =	sshll.u32 s26, $0x1;
	_ =	strace $0x80000046;
	[dreg:$0x1] =	wrdreg $0xFFFFFFFF  }
0xa7: {  	s28 =	simm.s32 $_size_execute0_lowered;
	s2 =	sadd.s32 s2, s4;
	[dreg:$0x0] =	wrdreg $0x0  }
0xa8: {  	s4 =	sshll.u32 s28, $0x1;
	[dreg:$0x2] =	wrdreg s2  }
0xa9: {  	[dreg:$0x3] =	wrdreg s4  }
0xaa: {  	[dreg:$0x4] =	wrdreg $0xC0  }
0xab: {  	_ =	task [dreg:s6], $0x5FFFF  }
0xac: {  	[dreg:$0x1] =	wrdreg $0xFFFFFFFF  }
0xad: {  	[dreg:$0x0] =	wrdreg $0x60  }
0xae: {  	[dreg:$0x2] =	wrdreg s24  }
0xaf: {  	[dreg:$0x3] =	wrdreg $0x9  }
0xb0: {  	_ =	task.clear_ibuf [dreg:s6], $0x4FFFF;
	_ =	strace $0x90000046  }
0xb1: {  	s29 =	simm.s32 $0x9;
	_ =	strace $0x80000048  }
0xb2: {  	_ =	swait.ge [sflag:s29], $0x1  }
0xb3: {  	[sflag:s29] =	ssyncadd.s32 $0xFFFFFFFF  }
0xb4: {  	_ =	strace $0x90000048  }
0xb5: {  	_ =	sfence  }
0xb6: {  	s30 =	sld [smem:$0x0];
	_ =	sdelay $0x2  }
0xb7: {  	s31 =	sshll.u32 s1, $0xD;
	s1 =	sshrl.u32 s1, $0x2  }
0xb8: {  	s3 =	sand.u32 $0x4000, s31;
	s1 =	sadd.s32 s1, s30  }
0xb9: {  	s0 =	sor.u32 s3, s0;
	s1 =	sshll.u32 s1, $0x11  }
0xba: {  	s0 =	sor.u32 s1, s0  }
0xbb: {  	s0 =	sadd.s32 $0x8F2B, s0  }
0xbc: {  	[sflag:s0] =	ssyncadd.remote.s32 $0x1  }
0xbd: {  	_ =	sfence.sel $0xFFFF  }
0xbe: {  	[dreg:$0x0] =	wrdreg $0xFFFFFFFF;
	(pc) =	sbr.abs _section_cstart, $3  }
0xbf: {  	[dreg:$0x1] =	wrdreg $0xFFFFFFFF  }
0xc0: {  	_ =	task.clear_ibuf [dreg:s6], $0x2FFFF;
	_ =	strace $0x9FFFFFFF  }
0xc1: {  	(tm) =	ssettm $0x7FFFFFFF  }
tec
execute0_lowered:
.L_overlay_start_1:
0x0: {  	(tag) =	ssettag $0x1  }
0x1: {  	s1 =	srdreg.scid;
	s0 =	stileid.u32  }
0x2: {  	s3 =	rddreg [dreg:$0x0];
	s2 =	simm.s32 $0x0;
	s11 =	simm.s32 $0x6200  }
0x3: {  	s12 =	simm.s32 $0x7600;
	s13 =	simm.s32 $0x80;
	s14 =	simm.s32 $0x400  }
0x4: {  	s15 =	simm.s32 $0x0;
	s4 =	sand.u32 $0x1, s1;
	s29 =	sshll.u32 s0, $0x1  }
0x5: {  	s1 =	rddreg [dreg:$0x1];
	s7 =	sshrl.u32 s0, $0x2;
	s9 =	smul.u32 $0x6200, s0  }
0x6: {  	[smem:$0x7FF] =	sst s2;
	s5 =	sor.u32 s4, s29;
	s7 =	smul.u32 $0xA000, s7  }
0x7: {  	_ =	strace $0x80000047;
	s6 =	smul.u32 $0x3100, s5;
	s5 =	sshll.u32 s5, $0x7  }
0x8: {  	s30 =	ssub.s32 $0x2, s4;
	s10 =	smul.u32 $0x3100, s4;
	s5 =	sand.u32 $0x380, s5  }
0x9: {  	s31 =	sshrl.u32 s30, $0x1;
	s6 =	sshrl.u32 s6, $0x3;
	s5 =	sor.u32 s7, s5  }
0xa: {  	s7 =	ssub.s32 s30, s31;
	s6 =	sadd.s32 s6, s3;
	s5 =	sshrl.u32 s5, $0x3  }
0xb: {  	s7 =	smax.u32 s7, $0x1;
	s8 =	sadd.s32 s5, s3;
	s3 =	sadd.s32 $0x1800, s6  }
0xc: {  	s4 =	sadd.s32 $0xDC00, s6;
	s5 =	sadd.s32 $0x1A000, s8;
	s6 =	sadd.s32 $0x1F000, s8  }
0xd: {  	v0 =	vimm.f32 $0.0e+00;
	v1 =	vimm.s32 $0x0;
	v2 =	vlaneseq.u32;
	s8 =	sadd.s32 s10, s9;
	s9 =	simm.s32 $0x1;
	s10 =	simm.s32 $0x3100  }
.LBB2_1:
0xe: {  	[tilespmem:s2], [sflag:$0x1] =	stream.linear.gather [hbm4b:s3+s2], $0x3100, $0x38;
	[tilespmem:$0x8A00] =	vst v63  }
0xf: {  	_ =	swait.ge [sflag:s9], $0x3100  }
0x10: {  	[sflag:s9] =	ssyncset.done $0x0  }
0x11: {  	[sflag:s9] =	ssyncadd.s32 $0xFFFFCF00  }
0x12: {  	[tilespmem:s10], [sflag:$0x1] =	stream.linear.gather [hbm4b:s4+s2], $0x3100, $0x38;
	[tilespmem:$0x8A00] =	vst v63  }
0x13: {  	_ =	swait.ge [sflag:s9], $0x3100  }
0x14: {  	[sflag:s9] =	ssyncset.done $0x0  }
0x15: {  	s16 =	simm.s32 $0x0;
	[sflag:s9] =	ssyncadd.s32 $0xFFFFCF00  }
.LBB2_2:
0x16: {  	p0 =	sne.s32 s16, $0x4FC0  }
.Ltmp0:
0x17: {  	_ = 	snop;
	(pc) =	sbr.rel @p0 .LBB2_2-.Ltmp0, $4  }
0x18: {  	_ = 	snop  }
0x19: {  	s17 =	sshra.s32 s16, $0x2  }
0x1a: {  	[tilespmem:s17+$0x6200] =	vst v0  }
0x1b: {  	s16 =	sadd.s32 $0x40, s16;
	[tilespmem:s17+$0x7600] =	vst v1  }
0x1c: {  	s16 =	simm.s32 $0x0  }
0x1d: {  	v3 =	vld [tilespmem:s16+$0x3100];
	_ =	sdelay $0x4  }
0x1e: {  	vm0 =	vgt.s32 v3, $0xFFFFFFFF;
	vm1 =	vgt.s32 v3, $0x0  }
0x1f: {  	v4 =	vld [tilespmem:s16+$0x0];
	v3 =	vnsel vm1, $0x0, v3;
	_ =	sdelay $0x4  }
0x20: {  	v5 =	vor.u32 s8, v2;
	[tilespmem:v3+s11+$0x0] =	vst.idx.msk vm0, v4  }
0x21: {  	s18 =	simm.s32 $0x10;
	[tilespmem:v3+s12+$0x0] =	vst.idx.msk vm0, v5  }
0x22: {  	s17 =	simm.s32 $0x80;
	s16 =	smov.u32 s8;
	v3 =	vld [tilespmem:s18+$0x3100]  }
.LBB2_4:
0x23: {  	p0 =	sne.s32 s17, $0xC3C0;
	_ =	sdelay $0x3  }
0x24: {  	vm0 =	vgt.s32 v3, $0xFFFFFFFF;
	vm1 =	vgt.s32 v3, $0x0  }
0x25: {  	v4 =	vld [tilespmem:s18+$0x0];
	v3 =	vnsel vm1, $0x0, v3;
	_ =	sdelay $0x2  }
.Ltmp1:
0x26: {  	(pc) =	sbr.rel @p0 .LBB2_4-.Ltmp1, $4  }
0x27: {  	s16 =	sadd.s32 $0x10, s16  }
0x28: {  	v5 =	vor.u32 s16, v2;
	[tilespmem:v3+s11+$0x0] =	vst.idx.msk vm0, v4  }
0x29: {  	s18 =	sshra.s32 s17, $0x2;
	[tilespmem:v3+s12+$0x0] =	vst.idx.msk vm0, v5  }
0x2a: {  	s17 =	sadd.s32 $0x40, s17;
	v3 =	vld [tilespmem:s18+$0x3100]  }
0x2b: {  	_ =	sdelay $0x3  }
0x2c: {  	vm0 =	vgt.s32 v3, $0xFFFFFFFF;
	vm1 =	vgt.s32 v3, $0x0  }
0x2d: {  	v4 =	vld [tilespmem:s18+$0x0];
	v3 =	vnsel vm1, $0x0, v3;
	_ =	sdelay $0x3  }
0x2e: {  	s16 =	sadd.s32 $0x10, s16  }
0x2f: {  	v5 =	vor.u32 s16, v2;
	[tilespmem:v3+s11+$0x0] =	vst.idx.msk vm0, v4  }
0x30: {  	[tilespmem:v3+s12+$0x0] =	vst.idx.msk vm0, v5  }
0x31: {  	[hbm4b:s5+s13] =	stream.strided.scatter [tilespmem:s11], [sflag:$0x1], $0x1400, s14, s13, $0x38;
	[tilespmem:$0x8A00] =	vst v63  }
0x32: {  	s15 =	sadd.s32 $0x1, s15;
	_ =	swait.ge [sflag:s9], $0x1400  }
0x33: {  	p0 =	sne.s32 s15, s7;
	[sflag:s9] =	ssyncset.done $0x0  }
.Ltmp2:
0x34: {  	[sflag:s9] =	ssyncadd.s32 $0xFFFFEC00;
	(pc) =	sbr.rel @p0 .LBB2_1-.Ltmp2, $4  }
0x35: {  	[hbm4b:s6+s13] =	stream.strided.scatter [tilespmem:s12], [sflag:$0x1], $0x1400, s14, s13, $0x38;
	[tilespmem:$0x8A00] =	vst v63  }
0x36: {  	_ =	swait.ge [sflag:s9], $0x1400  }
0x37: {  	[sflag:s9] =	ssyncset.done $0x0  }
0x38: {  	[sflag:s9] =	ssyncadd.s32 $0xFFFFEC00  }
0x39: {  	_ =	sfence.sel $0x180000  }
0x3a: {  	[bflag:$0x0] =	sbarrier.arrive $0xFFFF  }
0x3b: {  	p0 =	sne.s32 s0, $0x0;
	_ =	strace $0x90000047  }
0x3c: {  	s0 =	sadd.s32 @!p0 $0x100000, s1;
	[bflag:$0x2] =	sbarrier.arrive $0xFFFF  }
0x3d: {  	[sflag:s0] =	ssyncadd.tile.s32 @!p0 $0x1;
	_ =	shalt  }
.Lfunc_end2:
_tile_overlayer_lowered:
.L_overlay_start_2:
0x3e: {  	(tag) =	ssettag $0x2  }
0x3f: {  	s0 =	rddreg [dreg:$0x0];
	s2 =	stileid.u32  }
0x40: {  	s1 =	rddreg [dreg:$0x1];
	p0 =	sne.s32 s2, $0x0  }
0x41: {  	s3 =	rddreg [dreg:$0x2];
	[bflag:$0x3] =	sbarrier.arrive $0xFFFF;
	s2 =	simm.s32 @!p0 $0x1C01  }
0x42: {  	[timem:s3], [sflag:s2] =	dma.local @!p0 [hbm:s0], s1  }
0x43: {  	s0 =	simm.s32 @!p0 $0x1  }
0x44: {  	_ =	swait.ge @!p0 [sflag:s0], s1  }
0x45: {  	s1 =	ssub.s32 @!p0 $0x0, s1;
	[sflag:s0] =	ssyncset.done @!p0 $0x0  }
0x46: {  	[sflag:s0] =	ssyncadd.s32 @!p0 s1  }
0x47: {  	[bflag:$0x3] =	sbarrier.arrive $0xFFFF  }
0x48: {  	_ =	shalt  }

</sc_bundles>
